<compile_context>
chip_gen: v7x
topology: tpu7x:2x2x1
jax: 0.10.2.dev20260603
libtpu: 0.0.44.dev20260713+nightly
codegen_flags: <defaults>
</compile_context>

<pallas_src>
import functools

import jax
import jax.numpy as jnp
from jax import lax
from jax.experimental import pallas as pl
from jax.experimental.pallas import tpu as pltpu
from jax.experimental.pallas import tpu_sc as plsc

BATCH = 16384
F = 4096
L = 16
NW = 32
ROWS_PER_TILE = BATCH // NW
CHUNK = 2
NBUF = 4
NCHUNKS = ROWS_PER_TILE // CHUNK
NG = NCHUNKS // NBUF
JBLOCKS = F // L


def _gather_chunk(perm_v, in_v, out_v):
    @plsc.parallel_loop(0, JBLOCKS, unroll=8)
    def j_body(j):
        col0 = pl.multiple_of(j * L, L)
        idx = perm_v[pl.ds(col0, L)]
        for r in range(CHUNK):
            row_idx = jnp.full((L,), r, dtype=jnp.int32)
            vals = plsc.load_gather(in_v, [row_idx, idx])
            out_v[r, pl.ds(col0, L)] = vals


def _permute_body(in_hbm, perm_hbm, out_hbm, ld_hbm, perm_v, zero_v,
                  in_bufs, out_bufs, in_sems, out_sems):
    wid = lax.axis_index("s") * 2 + lax.axis_index("c")
    base = wid * ROWS_PER_TILE

    def rows(c):
        return pl.ds(base + c * CHUNK, CHUNK)

    def start_in(c, b):
        pltpu.async_copy(in_hbm.at[rows(c)], in_bufs[b], in_sems[b])

    def wait_in(c, b):
        pltpu.make_async_copy(in_hbm.at[rows(c)], in_bufs[b], in_sems[b]).wait()

    def start_out(c, b):
        pltpu.async_copy(out_bufs[b], out_hbm.at[rows(c)], out_sems[b])

    def wait_out(c, b):
        pltpu.make_async_copy(out_bufs[b], out_hbm.at[rows(c)], out_sems[b]).wait()

    for b in range(NBUF):
        start_in(b, b)
    pltpu.sync_copy(perm_hbm, perm_v)

    ld_per_tile = BATCH // NW
    for i in range(ld_per_tile // L):
        zero_v[pl.ds(i * L, L)] = jnp.zeros((L,), jnp.float32)
    pltpu.sync_copy(zero_v, ld_hbm.at[pl.ds(wid * ld_per_tile, ld_per_tile)])

    for b in range(NBUF):
        wait_in(b, b)
        _gather_chunk(perm_v, in_bufs[b], out_bufs[b])
        start_out(b, b)
        start_in(b + NBUF, b)

    def group_body(g, _):
        for b in range(NBUF):
            c = NBUF * g + b
            wait_in(c, b)
            wait_out(c - NBUF, b)
            _gather_chunk(perm_v, in_bufs[b], out_bufs[b])
            start_out(c, b)
            c2 = jnp.minimum(c + NBUF, NCHUNKS - 1)
            start_in(c2, b)
        return 0

    lax.fori_loop(1, NG, group_body, 0)

    for b in range(NBUF):
        wait_in(NCHUNKS - 1, b)
        wait_out(NCHUNKS - NBUF + b, b)


@functools.partial(
    pl.kernel,
    mesh=plsc.VectorSubcoreMesh(core_axis_name="c", subcore_axis_name="s"),
    out_type=(
        jax.ShapeDtypeStruct((BATCH, F), jnp.float32),
        jax.ShapeDtypeStruct((BATCH,), jnp.float32),
    ),
    scratch_types=(
        [pltpu.VMEM((F,), jnp.int32), pltpu.VMEM((BATCH // NW,), jnp.float32)]
        + [pltpu.VMEM((CHUNK, F), jnp.float32)] * (2 * NBUF)
        + [pltpu.SemaphoreType.DMA] * (2 * NBUF)
    ),
    compiler_params=pltpu.CompilerParams(
        needs_layout_passes=False, skip_device_barrier=True
    ),
)
def _permute_kernel(in_hbm, perm_hbm, out_hbm, ld_hbm, perm_v, zero_v, *rest):
    bufs, sems = rest[: 2 * NBUF], rest[2 * NBUF:]
    _permute_body(
        in_hbm, perm_hbm, out_hbm, ld_hbm, perm_v, zero_v,
        bufs[:NBUF], bufs[NBUF:], sems[:NBUF], sems[NBUF:],
    )


def kernel(inputs, permutation):
    outputs, logabsdet = _permute_kernel(inputs, permutation.astype(jnp.int32))
    return (outputs, logabsdet)

# --- scband reference (transcript-rebuilt; emitter-appended) ---
"""Pipeline reference for scband-random-permutation-12567074308137 (READ-ONLY COPY).

The authoritative reference and input builder live on the scoring server;
editing this copy changes nothing except your own understanding.
"""

import jax, jax.numpy as jnp
import numpy as np

NUM_FEATURES = 4096
BATCH = 16384

def setup_inputs(seed: int = 0) -> dict:
    key = jax.random.key(seed)
    k1, k2 = jax.random.split(key)
    inputs = jax.random.normal(k1, (BATCH, NUM_FEATURES), dtype=jnp.float32)
    # buffer created in __init__ via torch.randperm(num_features)
    permutation = jax.random.permutation(k2, NUM_FEATURES)
    return {"inputs": inputs, "permutation": permutation}

def reference(inputs, permutation):
    # outputs = inputs[:, self._permutation]
    outputs = jnp.take(inputs, permutation, axis=1)
    # logabsdet = inputs.new_zeros(batch_size)
    logabsdet = jnp.zeros((inputs.shape[0],), dtype=inputs.dtype)
    return (outputs, logabsdet)

if __name__ == "__main__":
    import jax
    _d = setup_inputs()
    print(jax.jit(kernel)(*tuple(_d.values())))

</pallas_src>

<mosaic_0001>
#map = affine_map<(d0, d1) -> (0, 0)>
#map1 = affine_map<(d0, d1) -> (0)>
module attributes {stable_mosaic.version = 14 : i64} {
  func.func @_permute_kernel(%arg0: i32, %arg1: i32, %arg2: memref<16384x4096xf32, #tpu.memory_space<hbm>>, %arg3: memref<4096xi32, #tpu.memory_space<hbm>>, %arg4: memref<16384x4096xf32, #tpu.memory_space<hbm>>, %arg5: memref<16384xf32, #tpu.memory_space<hbm>>, %arg6: memref<4096xi32, #tpu.memory_space<vmem>>, %arg7: memref<512xf32, #tpu.memory_space<vmem>>, %arg8: memref<2x4096xf32, #tpu.memory_space<vmem>>, %arg9: memref<2x4096xf32, #tpu.memory_space<vmem>>, %arg10: memref<2x4096xf32, #tpu.memory_space<vmem>>, %arg11: memref<2x4096xf32, #tpu.memory_space<vmem>>, %arg12: memref<2x4096xf32, #tpu.memory_space<vmem>>, %arg13: memref<2x4096xf32, #tpu.memory_space<vmem>>, %arg14: memref<2x4096xf32, #tpu.memory_space<vmem>>, %arg15: memref<2x4096xf32, #tpu.memory_space<vmem>>, %arg16: memref<!tpu.dma_semaphore, #tpu.memory_space<semaphore_mem>>, %arg17: memref<!tpu.dma_semaphore, #tpu.memory_space<semaphore_mem>>, %arg18: memref<!tpu.dma_semaphore, #tpu.memory_space<semaphore_mem>>, %arg19: memref<!tpu.dma_semaphore, #tpu.memory_space<semaphore_mem>>, %arg20: memref<!tpu.dma_semaphore, #tpu.memory_space<semaphore_mem>>, %arg21: memref<!tpu.dma_semaphore, #tpu.memory_space<semaphore_mem>>, %arg22: memref<!tpu.dma_semaphore, #tpu.memory_space<semaphore_mem>>, %arg23: memref<!tpu.dma_semaphore, #tpu.memory_space<semaphore_mem>>) attributes {dimension_semantics = [#tpu.dimension_semantics<core_parallel>, #tpu.dimension_semantics<subcore_parallel>], iteration_bounds = array<i64: 2, 16>, scalar_prefetch = 0 : i64, scratch_operands = 18 : i64, tpu.core_type = #tpu.core_type<sc_vector_subcore>, window_params = [{transform_indices = #map}, {transform_indices = #map1}, {transform_indices = #map}, {transform_indices = #map1}]} {
    %mul3A = arith.constant 2 : i32
    %mul3A_0 = arith.muli %arg1, %mul3A : i32
    %add3A = arith.addi %mul3A_0, %arg0 : i32
    %mul3A_1 = arith.constant 512 : i32
    %mul3A_2 = arith.muli %add3A, %mul3A_1 : i32
    %add3A_3 = arith.constant 0 : i32
    %add3A_4 = arith.addi %mul3A_2, %add3A_3 : i32
    %dma_start3A = arith.constant 0 : i32
    %dma_start3A_5 = tpu.memref_slice %arg2[%add3A_4, %dma_start3A] : memref<16384x4096xf32, #tpu.memory_space<hbm>> -> memref<2x4096xf32, #tpu.memory_space<hbm>>
    %dma_start3A_6 = arith.constant 0 : i32
    %dma_start3A_7 = tpu.memref_slice %arg2[%add3A_4, %dma_start3A_6] : memref<16384x4096xf32, #tpu.memory_space<hbm>> -> memref<2x4096xf32, #tpu.memory_space<hbm>>
    tpu.enqueue_dma source(%dma_start3A_7 : memref<2x4096xf32, #tpu.memory_space<hbm>>) target(%arg8 : memref<2x4096xf32, #tpu.memory_space<vmem>>) target_semaphore(%arg16 : memref<!tpu.dma_semaphore, #tpu.memory_space<semaphore_mem>>)
    %add3A_8 = arith.constant 2 : i32
    %add3A_9 = arith.addi %mul3A_2, %add3A_8 : i32
    %dma_start3A_10 = arith.constant 0 : i32
    %dma_start3A_11 = tpu.memref_slice %arg2[%add3A_9, %dma_start3A_10] : memref<16384x4096xf32, #tpu.memory_space<hbm>> -> memref<2x4096xf32, #tpu.memory_space<hbm>>
    %dma_start3A_12 = arith.constant 0 : i32
    %dma_start3A_13 = tpu.memref_slice %arg2[%add3A_9, %dma_start3A_12] : memref<16384x4096xf32, #tpu.memory_space<hbm>> -> memref<2x4096xf32, #tpu.memory_space<hbm>>
    tpu.enqueue_dma source(%dma_start3A_13 : memref<2x4096xf32, #tpu.memory_space<hbm>>) target(%arg9 : memref<2x4096xf32, #tpu.memory_space<vmem>>) target_semaphore(%arg17 : memref<!tpu.dma_semaphore, #tpu.memory_space<semaphore_mem>>)
    %add3A_14 = arith.constant 4 : i32
    %add3A_15 = arith.addi %mul3A_2, %add3A_14 : i32
    %dma_start3A_16 = arith.constant 0 : i32
    %dma_start3A_17 = tpu.memref_slice %arg2[%add3A_15, %dma_start3A_16] : memref<16384x4096xf32, #tpu.memory_space<hbm>> -> memref<2x4096xf32, #tpu.memory_space<hbm>>
    %dma_start3A_18 = arith.constant 0 : i32
    %dma_start3A_19 = tpu.memref_slice %arg2[%add3A_15, %dma_start3A_18] : memref<16384x4096xf32, #tpu.memory_space<hbm>> -> memref<2x4096xf32, #tpu.memory_space<hbm>>
    tpu.enqueue_dma source(%dma_start3A_19 : memref<2x4096xf32, #tpu.memory_space<hbm>>) target(%arg10 : memref<2x4096xf32, #tpu.memory_space<vmem>>) target_semaphore(%arg18 : memref<!tpu.dma_semaphore, #tpu.memory_space<semaphore_mem>>)
    %add3A_20 = arith.constant 6 : i32
    %add3A_21 = arith.addi %mul3A_2, %add3A_20 : i32
    %dma_start3A_22 = arith.constant 0 : i32
    %dma_start3A_23 = tpu.memref_slice %arg2[%add3A_21, %dma_start3A_22] : memref<16384x4096xf32, #tpu.memory_space<hbm>> -> memref<2x4096xf32, #tpu.memory_space<hbm>>
    %dma_start3A_24 = arith.constant 0 : i32
    %dma_start3A_25 = tpu.memref_slice %arg2[%add3A_21, %dma_start3A_24] : memref<16384x4096xf32, #tpu.memory_space<hbm>> -> memref<2x4096xf32, #tpu.memory_space<hbm>>
    tpu.enqueue_dma source(%dma_start3A_25 : memref<2x4096xf32, #tpu.memory_space<hbm>>) target(%arg11 : memref<2x4096xf32, #tpu.memory_space<vmem>>) target_semaphore(%arg19 : memref<!tpu.dma_semaphore, #tpu.memory_space<semaphore_mem>>)
    "tpu.region"() ({
      %run_scoped3A = tpu.sem_alloc : memref<!tpu.dma_semaphore, #tpu.memory_space<semaphore_mem>>
      tpu.enqueue_dma source(%arg3 : memref<4096xi32, #tpu.memory_space<hbm>>) target(%arg6 : memref<4096xi32, #tpu.memory_space<vmem>>) target_semaphore(%run_scoped3A : memref<!tpu.dma_semaphore, #tpu.memory_space<semaphore_mem>>)
      tpu.wait_dma2 semaphore(%run_scoped3A : memref<!tpu.dma_semaphore, #tpu.memory_space<semaphore_mem>>) src(%arg3 : memref<4096xi32, #tpu.memory_space<hbm>>) dst(%arg6 : memref<4096xi32, #tpu.memory_space<vmem>>)
      tpu.yield
    }) : () -> ()
    %broadcast_in_dim3A = arith.constant 0.000000e+00 : f32
    %broadcast_in_dim3A_26 = vector.broadcast %broadcast_in_dim3A : f32 to vector<16xf32>
    %swap3A = arith.constant 0 : index
    %swap3A_27 = tpu.vector_load %arg7[%swap3A] {strides = array<i32>} : memref<512xf32, #tpu.memory_space<vmem>>, vector<16xf32>,
    tpu.vector_store %arg7[%swap3A], %broadcast_in_dim3A_26 {strides = array<i32>} : memref<512xf32, #tpu.memory_space<vmem>>, vector<16xf32>,
    %broadcast_in_dim3A_28 = arith.constant 0.000000e+00 : f32
    %broadcast_in_dim3A_29 = vector.broadcast %broadcast_in_dim3A_28 : f32 to vector<16xf32>
    %swap3A_30 = arith.constant 16 : index
    %swap3A_31 = tpu.vector_load %arg7[%swap3A_30] {strides = array<i32>} : memref<512xf32, #tpu.memory_space<vmem>>, vector<16xf32>,
    tpu.vector_store %arg7[%swap3A_30], %broadcast_in_dim3A_29 {strides = array<i32>} : memref<512xf32, #tpu.memory_space<vmem>>, vector<16xf32>,
    %broadcast_in_dim3A_32 = arith.constant 0.000000e+00 : f32
    %broadcast_in_dim3A_33 = vector.broadcast %broadcast_in_dim3A_32 : f32 to vector<16xf32>
    %swap3A_34 = arith.constant 32 : index
    %swap3A_35 = tpu.vector_load %arg7[%swap3A_34] {strides = array<i32>} : memref<512xf32, #tpu.memory_space<vmem>>, vector<16xf32>,
    tpu.vector_store %arg7[%swap3A_34], %broadcast_in_dim3A_33 {strides = array<i32>} : memref<512xf32, #tpu.memory_space<vmem>>, vector<16xf32>,
    %broadcast_in_dim3A_36 = arith.constant 0.000000e+00 : f32
    %broadcast_in_dim3A_37 = vector.broadcast %broadcast_in_dim3A_36 : f32 to vector<16xf32>
    %swap3A_38 = arith.constant 48 : index
    %swap3A_39 = tpu.vector_load %arg7[%swap3A_38] {strides = array<i32>} : memref<512xf32, #tpu.memory_space<vmem>>, vector<16xf32>,
    tpu.vector_store %arg7[%swap3A_38], %broadcast_in_dim3A_37 {strides = array<i32>} : memref<512xf32, #tpu.memory_space<vmem>>, vector<16xf32>,
    %broadcast_in_dim3A_40 = arith.constant 0.000000e+00 : f32
    %broadcast_in_dim3A_41 = vector.broadcast %broadcast_in_dim3A_40 : f32 to vector<16xf32>
    %swap3A_42 = arith.constant 64 : index
    %swap3A_43 = tpu.vector_load %arg7[%swap3A_42] {strides = array<i32>} : memref<512xf32, #tpu.memory_space<vmem>>, vector<16xf32>,
    tpu.vector_store %arg7[%swap3A_42], %broadcast_in_dim3A_41 {strides = array<i32>} : memref<512xf32, #tpu.memory_space<vmem>>, vector<16xf32>,
    %broadcast_in_dim3A_44 = arith.constant 0.000000e+00 : f32
    %broadcast_in_dim3A_45 = vector.broadcast %broadcast_in_dim3A_44 : f32 to vector<16xf32>
    %swap3A_46 = arith.constant 80 : index
    %swap3A_47 = tpu.vector_load %arg7[%swap3A_46] {strides = array<i32>} : memref<512xf32, #tpu.memory_space<vmem>>, vector<16xf32>,
    tpu.vector_store %arg7[%swap3A_46], %broadcast_in_dim3A_45 {strides = array<i32>} : memref<512xf32, #tpu.memory_space<vmem>>, vector<16xf32>,
    %broadcast_in_dim3A_48 = arith.constant 0.000000e+00 : f32
    %broadcast_in_dim3A_49 = vector.broadcast %broadcast_in_dim3A_48 : f32 to vector<16xf32>
    %swap3A_50 = arith.constant 96 : index
    %swap3A_51 = tpu.vector_load %arg7[%swap3A_50] {strides = array<i32>} : memref<512xf32, #tpu.memory_space<vmem>>, vector<16xf32>,
    tpu.vector_store %arg7[%swap3A_50], %broadcast_in_dim3A_49 {strides = array<i32>} : memref<512xf32, #tpu.memory_space<vmem>>, vector<16xf32>,
    %broadcast_in_dim3A_52 = arith.constant 0.000000e+00 : f32
    %broadcast_in_dim3A_53 = vector.broadcast %broadcast_in_dim3A_52 : f32 to vector<16xf32>
    %swap3A_54 = arith.constant 112 : index
    %swap3A_55 = tpu.vector_load %arg7[%swap3A_54] {strides = array<i32>} : memref<512xf32, #tpu.memory_space<vmem>>, vector<16xf32>,
    tpu.vector_store %arg7[%swap3A_54], %broadcast_in_dim3A_53 {strides = array<i32>} : memref<512xf32, #tpu.memory_space<vmem>>, vector<16xf32>,
    %broadcast_in_dim3A_56 = arith.constant 0.000000e+00 : f32
    %broadcast_in_dim3A_57 = vector.broadcast %broadcast_in_dim3A_56 : f32 to vector<16xf32>
    %swap3A_58 = arith.constant 128 : index
    %swap3A_59 = tpu.vector_load %arg7[%swap3A_58] {strides = array<i32>} : memref<512xf32, #tpu.memory_space<vmem>>, vector<16xf32>,
    tpu.vector_store %arg7[%swap3A_58], %broadcast_in_dim3A_57 {strides = array<i32>} : memref<512xf32, #tpu.memory_space<vmem>>, vector<16xf32>,
    %broadcast_in_dim3A_60 = arith.constant 0.000000e+00 : f32
    %broadcast_in_dim3A_61 = vector.broadcast %broadcast_in_dim3A_60 : f32 to vector<16xf32>
    %swap3A_62 = arith.constant 144 : index
    %swap3A_63 = tpu.vector_load %arg7[%swap3A_62] {strides = array<i32>} : memref<512xf32, #tpu.memory_space<vmem>>, vector<16xf32>,
    tpu.vector_store %arg7[%swap3A_62], %broadcast_in_dim3A_61 {strides = array<i32>} : memref<512xf32, #tpu.memory_space<vmem>>, vector<16xf32>,
    %broadcast_in_dim3A_64 = arith.constant 0.000000e+00 : f32
    %broadcast_in_dim3A_65 = vector.broadcast %broadcast_in_dim3A_64 : f32 to vector<16xf32>
    %swap3A_66 = arith.constant 160 : index
    %swap3A_67 = tpu.vector_load %arg7[%swap3A_66] {strides = array<i32>} : memref<512xf32, #tpu.memory_space<vmem>>, vector<16xf32>,
    tpu.vector_store %arg7[%swap3A_66], %broadcast_in_dim3A_65 {strides = array<i32>} : memref<512xf32, #tpu.memory_space<vmem>>, vector<16xf32>,
    %broadcast_in_dim3A_68 = arith.constant 0.000000e+00 : f32
    %broadcast_in_dim3A_69 = vector.broadcast %broadcast_in_dim3A_68 : f32 to vector<16xf32>
    %swap3A_70 = arith.constant 176 : index
    %swap3A_71 = tpu.vector_load %arg7[%swap3A_70] {strides = array<i32>} : memref<512xf32, #tpu.memory_space<vmem>>, vector<16xf32>,
    tpu.vector_store %arg7[%swap3A_70], %broadcast_in_dim3A_69 {strides = array<i32>} : memref<512xf32, #tpu.memory_space<vmem>>, vector<16xf32>,
    %broadcast_in_dim3A_72 = arith.constant 0.000000e+00 : f32
    %broadcast_in_dim3A_73 = vector.broadcast %broadcast_in_dim3A_72 : f32 to vector<16xf32>
    %swap3A_74 = arith.constant 192 : index
    %swap3A_75 = tpu.vector_load %arg7[%swap3A_74] {strides = array<i32>} : memref<512xf32, #tpu.memory_space<vmem>>, vector<16xf32>,
    tpu.vector_store %arg7[%swap3A_74], %broadcast_in_dim3A_73 {strides = array<i32>} : memref<512xf32, #tpu.memory_space<vmem>>, vector<16xf32>,
    %broadcast_in_dim3A_76 = arith.constant 0.000000e+00 : f32
    %broadcast_in_dim3A_77 = vector.broadcast %broadcast_in_dim3A_76 : f32 to vector<16xf32>
    %swap3A_78 = arith.constant 208 : index
    %swap3A_79 = tpu.vector_load %arg7[%swap3A_78] {strides = array<i32>} : memref<512xf32, #tpu.memory_space<vmem>>, vector<16xf32>,
    tpu.vector_store %arg7[%swap3A_78], %broadcast_in_dim3A_77 {strides = array<i32>} : memref<512xf32, #tpu.memory_space<vmem>>, vector<16xf32>,
    %broadcast_in_dim3A_80 = arith.constant 0.000000e+00 : f32
    %broadcast_in_dim3A_81 = vector.broadcast %broadcast_in_dim3A_80 : f32 to vector<16xf32>
    %swap3A_82 = arith.constant 224 : index
    %swap3A_83 = tpu.vector_load %arg7[%swap3A_82] {strides = array<i32>} : memref<512xf32, #tpu.memory_space<vmem>>, vector<16xf32>,
    tpu.vector_store %arg7[%swap3A_82], %broadcast_in_dim3A_81 {strides = array<i32>} : memref<512xf32, #tpu.memory_space<vmem>>, vector<16xf32>,
    %broadcast_in_dim3A_84 = arith.constant 0.000000e+00 : f32
    %broadcast_in_dim3A_85 = vector.broadcast %broadcast_in_dim3A_84 : f32 to vector<16xf32>
    %swap3A_86 = arith.constant 240 : index
    %swap3A_87 = tpu.vector_load %arg7[%swap3A_86] {strides = array<i32>} : memref<512xf32, #tpu.memory_space<vmem>>, vector<16xf32>,
    tpu.vector_store %arg7[%swap3A_86], %broadcast_in_dim3A_85 {strides = array<i32>} : memref<512xf32, #tpu.memory_space<vmem>>, vector<16xf32>,
    %broadcast_in_dim3A_88 = arith.constant 0.000000e+00 : f32
    %broadcast_in_dim3A_89 = vector.broadcast %broadcast_in_dim3A_88 : f32 to vector<16xf32>
    %swap3A_90 = arith.constant 256 : index
    %swap3A_91 = tpu.vector_load %arg7[%swap3A_90] {strides = array<i32>} : memref<512xf32, #tpu.memory_space<vmem>>, vector<16xf32>,
    tpu.vector_store %arg7[%swap3A_90], %broadcast_in_dim3A_89 {strides = array<i32>} : memref<512xf32, #tpu.memory_space<vmem>>, vector<16xf32>,
    %broadcast_in_dim3A_92 = arith.constant 0.000000e+00 : f32
    %broadcast_in_dim3A_93 = vector.broadcast %broadcast_in_dim3A_92 : f32 to vector<16xf32>
    %swap3A_94 = arith.constant 272 : index
    %swap3A_95 = tpu.vector_load %arg7[%swap3A_94] {strides = array<i32>} : memref<512xf32, #tpu.memory_space<vmem>>, vector<16xf32>,
    tpu.vector_store %arg7[%swap3A_94], %broadcast_in_dim3A_93 {strides = array<i32>} : memref<512xf32, #tpu.memory_space<vmem>>, vector<16xf32>,
    %broadcast_in_dim3A_96 = arith.constant 0.000000e+00 : f32
    %broadcast_in_dim3A_97 = vector.broadcast %broadcast_in_dim3A_96 : f32 to vector<16xf32>
    %swap3A_98 = arith.constant 288 : index
    %swap3A_99 = tpu.vector_load %arg7[%swap3A_98] {strides = array<i32>} : memref<512xf32, #tpu.memory_space<vmem>>, vector<16xf32>,
    tpu.vector_store %arg7[%swap3A_98], %broadcast_in_dim3A_97 {strides = array<i32>} : memref<512xf32, #tpu.memory_space<vmem>>, vector<16xf32>,
    %broadcast_in_dim3A_100 = arith.constant 0.000000e+00 : f32
    %broadcast_in_dim3A_101 = vector.broadcast %broadcast_in_dim3A_100 : f32 to vector<16xf32>
    %swap3A_102 = arith.constant 304 : index
    %swap3A_103 = tpu.vector_load %arg7[%swap3A_102] {strides = array<i32>} : memref<512xf32, #tpu.memory_space<vmem>>, vector<16xf32>,
    tpu.vector_store %arg7[%swap3A_102], %broadcast_in_dim3A_101 {strides = array<i32>} : memref<512xf32, #tpu.memory_space<vmem>>, vector<16xf32>,
    %broadcast_in_dim3A_104 = arith.constant 0.000000e+00 : f32
    %broadcast_in_dim3A_105 = vector.broadcast %broadcast_in_dim3A_104 : f32 to vector<16xf32>
    %swap3A_106 = arith.constant 320 : index
    %swap3A_107 = tpu.vector_load %arg7[%swap3A_106] {strides = array<i32>} : memref<512xf32, #tpu.memory_space<vmem>>, vector<16xf32>,
    tpu.vector_store %arg7[%swap3A_106], %broadcast_in_dim3A_105 {strides = array<i32>} : memref<512xf32, #tpu.memory_space<vmem>>, vector<16xf32>,
    %broadcast_in_dim3A_108 = arith.constant 0.000000e+00 : f32
    %broadcast_in_dim3A_109 = vector.broadcast %broadcast_in_dim3A_108 : f32 to vector<16xf32>
    %swap3A_110 = arith.constant 336 : index
    %swap3A_111 = tpu.vector_load %arg7[%swap3A_110] {strides = array<i32>} : memref<512xf32, #tpu.memory_space<vmem>>, vector<16xf32>,
    tpu.vector_store %arg7[%swap3A_110], %broadcast_in_dim3A_109 {strides = array<i32>} : memref<512xf32, #tpu.memory_space<vmem>>, vector<16xf32>,
    %broadcast_in_dim3A_112 = arith.constant 0.000000e+00 : f32
    %broadcast_in_dim3A_113 = vector.broadcast %broadcast_in_dim3A_112 : f32 to vector<16xf32>
    %swap3A_114 = arith.constant 352 : index
    %swap3A_115 = tpu.vector_load %arg7[%swap3A_114] {strides = array<i32>} : memref<512xf32, #tpu.memory_space<vmem>>, vector<16xf32>,
    tpu.vector_store %arg7[%swap3A_114], %broadcast_in_dim3A_113 {strides = array<i32>} : memref<512xf32, #tpu.memory_space<vmem>>, vector<16xf32>,
    %broadcast_in_dim3A_116 = arith.constant 0.000000e+00 : f32
    %broadcast_in_dim3A_117 = vector.broadcast %broadcast_in_dim3A_116 : f32 to vector<16xf32>
    %swap3A_118 = arith.constant 368 : index
    %swap3A_119 = tpu.vector_load %arg7[%swap3A_118] {strides = array<i32>} : memref<512xf32, #tpu.memory_space<vmem>>, vector<16xf32>,
    tpu.vector_store %arg7[%swap3A_118], %broadcast_in_dim3A_117 {strides = array<i32>} : memref<512xf32, #tpu.memory_space<vmem>>, vector<16xf32>,
    %broadcast_in_dim3A_120 = arith.constant 0.000000e+00 : f32
    %broadcast_in_dim3A_121 = vector.broadcast %broadcast_in_dim3A_120 : f32 to vector<16xf32>
    %swap3A_122 = arith.constant 384 : index
    %swap3A_123 = tpu.vector_load %arg7[%swap3A_122] {strides = array<i32>} : memref<512xf32, #tpu.memory_space<vmem>>, vector<16xf32>,
    tpu.vector_store %arg7[%swap3A_122], %broadcast_in_dim3A_121 {strides = array<i32>} : memref<512xf32, #tpu.memory_space<vmem>>, vector<16xf32>,
    %broadcast_in_dim3A_124 = arith.constant 0.000000e+00 : f32
    %broadcast_in_dim3A_125 = vector.broadcast %broadcast_in_dim3A_124 : f32 to vector<16xf32>
    %swap3A_126 = arith.constant 400 : index
    %swap3A_127 = tpu.vector_load %arg7[%swap3A_126] {strides = array<i32>} : memref<512xf32, #tpu.memory_space<vmem>>, vector<16xf32>,
    tpu.vector_store %arg7[%swap3A_126], %broadcast_in_dim3A_125 {strides = array<i32>} : memref<512xf32, #tpu.memory_space<vmem>>, vector<16xf32>,
    %broadcast_in_dim3A_128 = arith.constant 0.000000e+00 : f32
    %broadcast_in_dim3A_129 = vector.broadcast %broadcast_in_dim3A_128 : f32 to vector<16xf32>
    %swap3A_130 = arith.constant 416 : index
    %swap3A_131 = tpu.vector_load %arg7[%swap3A_130] {strides = array<i32>} : memref<512xf32, #tpu.memory_space<vmem>>, vector<16xf32>,
    tpu.vector_store %arg7[%swap3A_130], %broadcast_in_dim3A_129 {strides = array<i32>} : memref<512xf32, #tpu.memory_space<vmem>>, vector<16xf32>,
    %broadcast_in_dim3A_132 = arith.constant 0.000000e+00 : f32
    %broadcast_in_dim3A_133 = vector.broadcast %broadcast_in_dim3A_132 : f32 to vector<16xf32>
    %swap3A_134 = arith.constant 432 : index
    %swap3A_135 = tpu.vector_load %arg7[%swap3A_134] {strides = array<i32>} : memref<512xf32, #tpu.memory_space<vmem>>, vector<16xf32>,
    tpu.vector_store %arg7[%swap3A_134], %broadcast_in_dim3A_133 {strides = array<i32>} : memref<512xf32, #tpu.memory_space<vmem>>, vector<16xf32>,
    %broadcast_in_dim3A_136 = arith.constant 0.000000e+00 : f32
    %broadcast_in_dim3A_137 = vector.broadcast %broadcast_in_dim3A_136 : f32 to vector<16xf32>
    %swap3A_138 = arith.constant 448 : index
    %swap3A_139 = tpu.vector_load %arg7[%swap3A_138] {strides = array<i32>} : memref<512xf32, #tpu.memory_space<vmem>>, vector<16xf32>,
    tpu.vector_store %arg7[%swap3A_138], %broadcast_in_dim3A_137 {strides = array<i32>} : memref<512xf32, #tpu.memory_space<vmem>>, vector<16xf32>,
    %broadcast_in_dim3A_140 = arith.constant 0.000000e+00 : f32
    %broadcast_in_dim3A_141 = vector.broadcast %broadcast_in_dim3A_140 : f32 to vector<16xf32>
    %swap3A_142 = arith.constant 464 : index
    %swap3A_143 = tpu.vector_load %arg7[%swap3A_142] {strides = array<i32>} : memref<512xf32, #tpu.memory_space<vmem>>, vector<16xf32>,
    tpu.vector_store %arg7[%swap3A_142], %broadcast_in_dim3A_141 {strides = array<i32>} : memref<512xf32, #tpu.memory_space<vmem>>, vector<16xf32>,
    %broadcast_in_dim3A_144 = arith.constant 0.000000e+00 : f32
    %broadcast_in_dim3A_145 = vector.broadcast %broadcast_in_dim3A_144 : f32 to vector<16xf32>
    %swap3A_146 = arith.constant 480 : index
    %swap3A_147 = tpu.vector_load %arg7[%swap3A_146] {strides = array<i32>} : memref<512xf32, #tpu.memory_space<vmem>>, vector<16xf32>,
    tpu.vector_store %arg7[%swap3A_146], %broadcast_in_dim3A_145 {strides = array<i32>} : memref<512xf32, #tpu.memory_space<vmem>>, vector<16xf32>,
    %broadcast_in_dim3A_148 = arith.constant 0.000000e+00 : f32
    %broadcast_in_dim3A_149 = vector.broadcast %broadcast_in_dim3A_148 : f32 to vector<16xf32>
    %swap3A_150 = arith.constant 496 : index
    %swap3A_151 = tpu.vector_load %arg7[%swap3A_150] {strides = array<i32>} : memref<512xf32, #tpu.memory_space<vmem>>, vector<16xf32>,
    tpu.vector_store %arg7[%swap3A_150], %broadcast_in_dim3A_149 {strides = array<i32>} : memref<512xf32, #tpu.memory_space<vmem>>, vector<16xf32>,
    %mul3A_152 = arith.constant 512 : i32
    %mul3A_153 = arith.muli %add3A, %mul3A_152 : i32
    "tpu.region"() ({
      %run_scoped3A = tpu.sem_alloc : memref<!tpu.dma_semaphore, #tpu.memory_space<semaphore_mem>>
      %dma_start3A_290 = tpu.memref_slice %arg5[%mul3A_153] : memref<16384xf32, #tpu.memory_space<hbm>> -> memref<512xf32, #tpu.memory_space<hbm>>
      %dma_start3A_291 = tpu.memref_slice %arg5[%mul3A_153] : memref<16384xf32, #tpu.memory_space<hbm>> -> memref<512xf32, #tpu.memory_space<hbm>>
      tpu.enqueue_dma source(%arg7 : memref<512xf32, #tpu.memory_space<vmem>>) target(%dma_start3A_291 : memref<512xf32, #tpu.memory_space<hbm>>) target_semaphore(%run_scoped3A : memref<!tpu.dma_semaphore, #tpu.memory_space<semaphore_mem>>)
      %dma_wait3A_292 = tpu.memref_slice %arg5[%mul3A_153] : memref<16384xf32, #tpu.memory_space<hbm>> -> memref<512xf32, #tpu.memory_space<hbm>>
      %dma_wait3A_293 = tpu.memref_slice %arg5[%mul3A_153] : memref<16384xf32, #tpu.memory_space<hbm>> -> memref<512xf32, #tpu.memory_space<hbm>>
      tpu.wait_dma2 semaphore(%run_scoped3A : memref<!tpu.dma_semaphore, #tpu.memory_space<semaphore_mem>>) src(%arg7 : memref<512xf32, #tpu.memory_space<vmem>>) dst(%dma_wait3A_293 : memref<512xf32, #tpu.memory_space<hbm>>)
      tpu.yield
    }) : () -> ()
    %add3A_154 = arith.constant 0 : i32
    %add3A_155 = arith.addi %mul3A_2, %add3A_154 : i32
    %dma_wait3A = arith.constant 0 : i32
    %dma_wait3A_156 = tpu.memref_slice %arg2[%add3A_155, %dma_wait3A] : memref<16384x4096xf32, #tpu.memory_space<hbm>> -> memref<2x4096xf32, #tpu.memory_space<hbm>>
    %dma_wait3A_157 = arith.constant 0 : i32
    %dma_wait3A_158 = tpu.memref_slice %arg2[%add3A_155, %dma_wait3A_157] : memref<16384x4096xf32, #tpu.memory_space<hbm>> -> memref<2x4096xf32, #tpu.memory_space<hbm>>
    tpu.wait_dma2 semaphore(%arg16 : memref<!tpu.dma_semaphore, #tpu.memory_space<semaphore_mem>>) src(%dma_wait3A_158 : memref<2x4096xf32, #tpu.memory_space<hbm>>) dst(%arg8 : memref<2x4096xf32, #tpu.memory_space<vmem>>)
    %parallel_loop3A = arith.constant 0 : i32
    %parallel_loop3A_159 = arith.constant 256 : i32
    %parallel_loop3A_160 = arith.constant 1 : i32
    scf.for %parallel_loop3A_290 = %parallel_loop3A to %parallel_loop3A_159 step %parallel_loop3A_160  : i32 {
      %parallel_loop3A_291 = arith.constant 16 : i32
      %parallel_loop3A_292 = arith.muli %parallel_loop3A_290, %parallel_loop3A_291 : i32
      %parallel_loop3A_293 = tpu.assume_multiple %parallel_loop3A_292, 16 : i32
      %parallel_loop3A_294 = arith.index_cast %parallel_loop3A_293 : i32 to index
      %parallel_loop3A_295 = tpu.vector_load %arg6[%parallel_loop3A_294] {strides = array<i32>} : memref<4096xi32, #tpu.memory_space<vmem>>, vector<16xi32>,
      %parallel_loop3A_296 = arith.constant 0 : i32
      %parallel_loop3A_297 = vector.broadcast %parallel_loop3A_296 : i32 to vector<16xi32>
      %parallel_loop3A_298 = tpu.vector_load_idx %arg8[%parallel_loop3A_297, %parallel_loop3A_295] : memref<2x4096xf32, #tpu.memory_space<vmem>>[vector<16xi32>, vector<16xi32>], vector<16xf32>,
      %parallel_loop3A_299 = arith.constant 0 : i32
      %parallel_loop3A_300 = arith.index_cast %parallel_loop3A_299 : i32 to index
      %parallel_loop3A_301 = arith.index_cast %parallel_loop3A_293 : i32 to index
      %parallel_loop3A_302 = tpu.vector_load %arg12[%parallel_loop3A_300, %parallel_loop3A_301] {strides = array<i32>} : memref<2x4096xf32, #tpu.memory_space<vmem>>, vector<16xf32>,
      tpu.vector_store %arg12[%parallel_loop3A_300, %parallel_loop3A_301], %parallel_loop3A_298 {strides = array<i32>} : memref<2x4096xf32, #tpu.memory_space<vmem>>, vector<16xf32>,
      %parallel_loop3A_303 = arith.constant 1 : i32
      %parallel_loop3A_304 = vector.broadcast %parallel_loop3A_303 : i32 to vector<16xi32>
      %parallel_loop3A_305 = tpu.vector_load_idx %arg8[%parallel_loop3A_304, %parallel_loop3A_295] : memref<2x4096xf32, #tpu.memory_space<vmem>>[vector<16xi32>, vector<16xi32>], vector<16xf32>,
      %parallel_loop3A_306 = arith.constant 1 : i32
      %parallel_loop3A_307 = arith.index_cast %parallel_loop3A_306 : i32 to index
      %parallel_loop3A_308 = arith.index_cast %parallel_loop3A_293 : i32 to index
      %parallel_loop3A_309 = tpu.vector_load %arg12[%parallel_loop3A_307, %parallel_loop3A_308] {strides = array<i32>} : memref<2x4096xf32, #tpu.memory_space<vmem>>, vector<16xf32>,
      tpu.vector_store %arg12[%parallel_loop3A_307, %parallel_loop3A_308], %parallel_loop3A_305 {strides = array<i32>} : memref<2x4096xf32, #tpu.memory_space<vmem>>, vector<16xf32>,
    } {sc.loop_unroll_factor = 8 : i64, sc.parallel_access}
    %add3A_161 = arith.constant 0 : i32
    %add3A_162 = arith.addi %mul3A_2, %add3A_161 : i32
    %dma_start3A_163 = arith.constant 0 : i32
    %dma_start3A_164 = tpu.memref_slice %arg4[%add3A_162, %dma_start3A_163] : memref<16384x4096xf32, #tpu.memory_space<hbm>> -> memref<2x4096xf32, #tpu.memory_space<hbm>>
    %dma_start3A_165 = arith.constant 0 : i32
    %dma_start3A_166 = tpu.memref_slice %arg4[%add3A_162, %dma_start3A_165] : memref<16384x4096xf32, #tpu.memory_space<hbm>> -> memref<2x4096xf32, #tpu.memory_space<hbm>>
    tpu.enqueue_dma source(%arg12 : memref<2x4096xf32, #tpu.memory_space<vmem>>) target(%dma_start3A_166 : memref<2x4096xf32, #tpu.memory_space<hbm>>) target_semaphore(%arg20 : memref<!tpu.dma_semaphore, #tpu.memory_space<semaphore_mem>>)
    %add3A_167 = arith.constant 8 : i32
    %add3A_168 = arith.addi %mul3A_2, %add3A_167 : i32
    %dma_start3A_169 = arith.constant 0 : i32
    %dma_start3A_170 = tpu.memref_slice %arg2[%add3A_168, %dma_start3A_169] : memref<16384x4096xf32, #tpu.memory_space<hbm>> -> memref<2x4096xf32, #tpu.memory_space<hbm>>
    %dma_start3A_171 = arith.constant 0 : i32
    %dma_start3A_172 = tpu.memref_slice %arg2[%add3A_168, %dma_start3A_171] : memref<16384x4096xf32, #tpu.memory_space<hbm>> -> memref<2x4096xf32, #tpu.memory_space<hbm>>
    tpu.enqueue_dma source(%dma_start3A_172 : memref<2x4096xf32, #tpu.memory_space<hbm>>) target(%arg8 : memref<2x4096xf32, #tpu.memory_space<vmem>>) target_semaphore(%arg16 : memref<!tpu.dma_semaphore, #tpu.memory_space<semaphore_mem>>)
    %add3A_173 = arith.constant 2 : i32
    %add3A_174 = arith.addi %mul3A_2, %add3A_173 : i32
    %dma_wait3A_175 = arith.constant 0 : i32
    %dma_wait3A_176 = tpu.memref_slice %arg2[%add3A_174, %dma_wait3A_175] : memref<16384x4096xf32, #tpu.memory_space<hbm>> -> memref<2x4096xf32, #tpu.memory_space<hbm>>
    %dma_wait3A_177 = arith.constant 0 : i32
    %dma_wait3A_178 = tpu.memref_slice %arg2[%add3A_174, %dma_wait3A_177] : memref<16384x4096xf32, #tpu.memory_space<hbm>> -> memref<2x4096xf32, #tpu.memory_space<hbm>>
    tpu.wait_dma2 semaphore(%arg17 : memref<!tpu.dma_semaphore, #tpu.memory_space<semaphore_mem>>) src(%dma_wait3A_178 : memref<2x4096xf32, #tpu.memory_space<hbm>>) dst(%arg9 : memref<2x4096xf32, #tpu.memory_space<vmem>>)
    %parallel_loop3A_179 = arith.constant 0 : i32
    %parallel_loop3A_180 = arith.constant 256 : i32
    %parallel_loop3A_181 = arith.constant 1 : i32
    scf.for %parallel_loop3A_290 = %parallel_loop3A_179 to %parallel_loop3A_180 step %parallel_loop3A_181  : i32 {
      %parallel_loop3A_291 = arith.constant 16 : i32
      %parallel_loop3A_292 = arith.muli %parallel_loop3A_290, %parallel_loop3A_291 : i32
      %parallel_loop3A_293 = tpu.assume_multiple %parallel_loop3A_292, 16 : i32
      %parallel_loop3A_294 = arith.index_cast %parallel_loop3A_293 : i32 to index
      %parallel_loop3A_295 = tpu.vector_load %arg6[%parallel_loop3A_294] {strides = array<i32>} : memref<4096xi32, #tpu.memory_space<vmem>>, vector<16xi32>,
      %parallel_loop3A_296 = arith.constant 0 : i32
      %parallel_loop3A_297 = vector.broadcast %parallel_loop3A_296 : i32 to vector<16xi32>
      %parallel_loop3A_298 = tpu.vector_load_idx %arg9[%parallel_loop3A_297, %parallel_loop3A_295] : memref<2x4096xf32, #tpu.memory_space<vmem>>[vector<16xi32>, vector<16xi32>], vector<16xf32>,
      %parallel_loop3A_299 = arith.constant 0 : i32
      %parallel_loop3A_300 = arith.index_cast %parallel_loop3A_299 : i32 to index
      %parallel_loop3A_301 = arith.index_cast %parallel_loop3A_293 : i32 to index
      %parallel_loop3A_302 = tpu.vector_load %arg13[%parallel_loop3A_300, %parallel_loop3A_301] {strides = array<i32>} : memref<2x4096xf32, #tpu.memory_space<vmem>>, vector<16xf32>,
      tpu.vector_store %arg13[%parallel_loop3A_300, %parallel_loop3A_301], %parallel_loop3A_298 {strides = array<i32>} : memref<2x4096xf32, #tpu.memory_space<vmem>>, vector<16xf32>,
      %parallel_loop3A_303 = arith.constant 1 : i32
      %parallel_loop3A_304 = vector.broadcast %parallel_loop3A_303 : i32 to vector<16xi32>
      %parallel_loop3A_305 = tpu.vector_load_idx %arg9[%parallel_loop3A_304, %parallel_loop3A_295] : memref<2x4096xf32, #tpu.memory_space<vmem>>[vector<16xi32>, vector<16xi32>], vector<16xf32>,
      %parallel_loop3A_306 = arith.constant 1 : i32
      %parallel_loop3A_307 = arith.index_cast %parallel_loop3A_306 : i32 to index
      %parallel_loop3A_308 = arith.index_cast %parallel_loop3A_293 : i32 to index
      %parallel_loop3A_309 = tpu.vector_load %arg13[%parallel_loop3A_307, %parallel_loop3A_308] {strides = array<i32>} : memref<2x4096xf32, #tpu.memory_space<vmem>>, vector<16xf32>,
      tpu.vector_store %arg13[%parallel_loop3A_307, %parallel_loop3A_308], %parallel_loop3A_305 {strides = array<i32>} : memref<2x4096xf32, #tpu.memory_space<vmem>>, vector<16xf32>,
    } {sc.loop_unroll_factor = 8 : i64, sc.parallel_access}
    %add3A_182 = arith.constant 2 : i32
    %add3A_183 = arith.addi %mul3A_2, %add3A_182 : i32
    %dma_start3A_184 = arith.constant 0 : i32
    %dma_start3A_185 = tpu.memref_slice %arg4[%add3A_183, %dma_start3A_184] : memref<16384x4096xf32, #tpu.memory_space<hbm>> -> memref<2x4096xf32, #tpu.memory_space<hbm>>
    %dma_start3A_186 = arith.constant 0 : i32
    %dma_start3A_187 = tpu.memref_slice %arg4[%add3A_183, %dma_start3A_186] : memref<16384x4096xf32, #tpu.memory_space<hbm>> -> memref<2x4096xf32, #tpu.memory_space<hbm>>
    tpu.enqueue_dma source(%arg13 : memref<2x4096xf32, #tpu.memory_space<vmem>>) target(%dma_start3A_187 : memref<2x4096xf32, #tpu.memory_space<hbm>>) target_semaphore(%arg21 : memref<!tpu.dma_semaphore, #tpu.memory_space<semaphore_mem>>)
    %add3A_188 = arith.constant 10 : i32
    %add3A_189 = arith.addi %mul3A_2, %add3A_188 : i32
    %dma_start3A_190 = arith.constant 0 : i32
    %dma_start3A_191 = tpu.memref_slice %arg2[%add3A_189, %dma_start3A_190] : memref<16384x4096xf32, #tpu.memory_space<hbm>> -> memref<2x4096xf32, #tpu.memory_space<hbm>>
    %dma_start3A_192 = arith.constant 0 : i32
    %dma_start3A_193 = tpu.memref_slice %arg2[%add3A_189, %dma_start3A_192] : memref<16384x4096xf32, #tpu.memory_space<hbm>> -> memref<2x4096xf32, #tpu.memory_space<hbm>>
    tpu.enqueue_dma source(%dma_start3A_193 : memref<2x4096xf32, #tpu.memory_space<hbm>>) target(%arg9 : memref<2x4096xf32, #tpu.memory_space<vmem>>) target_semaphore(%arg17 : memref<!tpu.dma_semaphore, #tpu.memory_space<semaphore_mem>>)
    %add3A_194 = arith.constant 4 : i32
    %add3A_195 = arith.addi %mul3A_2, %add3A_194 : i32
    %dma_wait3A_196 = arith.constant 0 : i32
    %dma_wait3A_197 = tpu.memref_slice %arg2[%add3A_195, %dma_wait3A_196] : memref<16384x4096xf32, #tpu.memory_space<hbm>> -> memref<2x4096xf32, #tpu.memory_space<hbm>>
    %dma_wait3A_198 = arith.constant 0 : i32
    %dma_wait3A_199 = tpu.memref_slice %arg2[%add3A_195, %dma_wait3A_198] : memref<16384x4096xf32, #tpu.memory_space<hbm>> -> memref<2x4096xf32, #tpu.memory_space<hbm>>
    tpu.wait_dma2 semaphore(%arg18 : memref<!tpu.dma_semaphore, #tpu.memory_space<semaphore_mem>>) src(%dma_wait3A_199 : memref<2x4096xf32, #tpu.memory_space<hbm>>) dst(%arg10 : memref<2x4096xf32, #tpu.memory_space<vmem>>)
    %parallel_loop3A_200 = arith.constant 0 : i32
    %parallel_loop3A_201 = arith.constant 256 : i32
    %parallel_loop3A_202 = arith.constant 1 : i32
    scf.for %parallel_loop3A_290 = %parallel_loop3A_200 to %parallel_loop3A_201 step %parallel_loop3A_202  : i32 {
      %parallel_loop3A_291 = arith.constant 16 : i32
      %parallel_loop3A_292 = arith.muli %parallel_loop3A_290, %parallel_loop3A_291 : i32
      %parallel_loop3A_293 = tpu.assume_multiple %parallel_loop3A_292, 16 : i32
      %parallel_loop3A_294 = arith.index_cast %parallel_loop3A_293 : i32 to index
      %parallel_loop3A_295 = tpu.vector_load %arg6[%parallel_loop3A_294] {strides = array<i32>} : memref<4096xi32, #tpu.memory_space<vmem>>, vector<16xi32>,
      %parallel_loop3A_296 = arith.constant 0 : i32
      %parallel_loop3A_297 = vector.broadcast %parallel_loop3A_296 : i32 to vector<16xi32>
      %parallel_loop3A_298 = tpu.vector_load_idx %arg10[%parallel_loop3A_297, %parallel_loop3A_295] : memref<2x4096xf32, #tpu.memory_space<vmem>>[vector<16xi32>, vector<16xi32>], vector<16xf32>,
      %parallel_loop3A_299 = arith.constant 0 : i32
      %parallel_loop3A_300 = arith.index_cast %parallel_loop3A_299 : i32 to index
      %parallel_loop3A_301 = arith.index_cast %parallel_loop3A_293 : i32 to index
      %parallel_loop3A_302 = tpu.vector_load %arg14[%parallel_loop3A_300, %parallel_loop3A_301] {strides = array<i32>} : memref<2x4096xf32, #tpu.memory_space<vmem>>, vector<16xf32>,
      tpu.vector_store %arg14[%parallel_loop3A_300, %parallel_loop3A_301], %parallel_loop3A_298 {strides = array<i32>} : memref<2x4096xf32, #tpu.memory_space<vmem>>, vector<16xf32>,
      %parallel_loop3A_303 = arith.constant 1 : i32
      %parallel_loop3A_304 = vector.broadcast %parallel_loop3A_303 : i32 to vector<16xi32>
      %parallel_loop3A_305 = tpu.vector_load_idx %arg10[%parallel_loop3A_304, %parallel_loop3A_295] : memref<2x4096xf32, #tpu.memory_space<vmem>>[vector<16xi32>, vector<16xi32>], vector<16xf32>,
      %parallel_loop3A_306 = arith.constant 1 : i32
      %parallel_loop3A_307 = arith.index_cast %parallel_loop3A_306 : i32 to index
      %parallel_loop3A_308 = arith.index_cast %parallel_loop3A_293 : i32 to index
      %parallel_loop3A_309 = tpu.vector_load %arg14[%parallel_loop3A_307, %parallel_loop3A_308] {strides = array<i32>} : memref<2x4096xf32, #tpu.memory_space<vmem>>, vector<16xf32>,
      tpu.vector_store %arg14[%parallel_loop3A_307, %parallel_loop3A_308], %parallel_loop3A_305 {strides = array<i32>} : memref<2x4096xf32, #tpu.memory_space<vmem>>, vector<16xf32>,
    } {sc.loop_unroll_factor = 8 : i64, sc.parallel_access}
    %add3A_203 = arith.constant 4 : i32
    %add3A_204 = arith.addi %mul3A_2, %add3A_203 : i32
    %dma_start3A_205 = arith.constant 0 : i32
    %dma_start3A_206 = tpu.memref_slice %arg4[%add3A_204, %dma_start3A_205] : memref<16384x4096xf32, #tpu.memory_space<hbm>> -> memref<2x4096xf32, #tpu.memory_space<hbm>>
    %dma_start3A_207 = arith.constant 0 : i32
    %dma_start3A_208 = tpu.memref_slice %arg4[%add3A_204, %dma_start3A_207] : memref<16384x4096xf32, #tpu.memory_space<hbm>> -> memref<2x4096xf32, #tpu.memory_space<hbm>>
    tpu.enqueue_dma source(%arg14 : memref<2x4096xf32, #tpu.memory_space<vmem>>) target(%dma_start3A_208 : memref<2x4096xf32, #tpu.memory_space<hbm>>) target_semaphore(%arg22 : memref<!tpu.dma_semaphore, #tpu.memory_space<semaphore_mem>>)
    %add3A_209 = arith.constant 12 : i32
    %add3A_210 = arith.addi %mul3A_2, %add3A_209 : i32
    %dma_start3A_211 = arith.constant 0 : i32
    %dma_start3A_212 = tpu.memref_slice %arg2[%add3A_210, %dma_start3A_211] : memref<16384x4096xf32, #tpu.memory_space<hbm>> -> memref<2x4096xf32, #tpu.memory_space<hbm>>
    %dma_start3A_213 = arith.constant 0 : i32
    %dma_start3A_214 = tpu.memref_slice %arg2[%add3A_210, %dma_start3A_213] : memref<16384x4096xf32, #tpu.memory_space<hbm>> -> memref<2x4096xf32, #tpu.memory_space<hbm>>
    tpu.enqueue_dma source(%dma_start3A_214 : memref<2x4096xf32, #tpu.memory_space<hbm>>) target(%arg10 : memref<2x4096xf32, #tpu.memory_space<vmem>>) target_semaphore(%arg18 : memref<!tpu.dma_semaphore, #tpu.memory_space<semaphore_mem>>)
    %add3A_215 = arith.constant 6 : i32
    %add3A_216 = arith.addi %mul3A_2, %add3A_215 : i32
    %dma_wait3A_217 = arith.constant 0 : i32
    %dma_wait3A_218 = tpu.memref_slice %arg2[%add3A_216, %dma_wait3A_217] : memref<16384x4096xf32, #tpu.memory_space<hbm>> -> memref<2x4096xf32, #tpu.memory_space<hbm>>
    %dma_wait3A_219 = arith.constant 0 : i32
    %dma_wait3A_220 = tpu.memref_slice %arg2[%add3A_216, %dma_wait3A_219] : memref<16384x4096xf32, #tpu.memory_space<hbm>> -> memref<2x4096xf32, #tpu.memory_space<hbm>>
    tpu.wait_dma2 semaphore(%arg19 : memref<!tpu.dma_semaphore, #tpu.memory_space<semaphore_mem>>) src(%dma_wait3A_220 : memref<2x4096xf32, #tpu.memory_space<hbm>>) dst(%arg11 : memref<2x4096xf32, #tpu.memory_space<vmem>>)
    %parallel_loop3A_221 = arith.constant 0 : i32
    %parallel_loop3A_222 = arith.constant 256 : i32
    %parallel_loop3A_223 = arith.constant 1 : i32
    scf.for %parallel_loop3A_290 = %parallel_loop3A_221 to %parallel_loop3A_222 step %parallel_loop3A_223  : i32 {
      %parallel_loop3A_291 = arith.constant 16 : i32
      %parallel_loop3A_292 = arith.muli %parallel_loop3A_290, %parallel_loop3A_291 : i32
      %parallel_loop3A_293 = tpu.assume_multiple %parallel_loop3A_292, 16 : i32
      %parallel_loop3A_294 = arith.index_cast %parallel_loop3A_293 : i32 to index
      %parallel_loop3A_295 = tpu.vector_load %arg6[%parallel_loop3A_294] {strides = array<i32>} : memref<4096xi32, #tpu.memory_space<vmem>>, vector<16xi32>,
      %parallel_loop3A_296 = arith.constant 0 : i32
      %parallel_loop3A_297 = vector.broadcast %parallel_loop3A_296 : i32 to vector<16xi32>
      %parallel_loop3A_298 = tpu.vector_load_idx %arg11[%parallel_loop3A_297, %parallel_loop3A_295] : memref<2x4096xf32, #tpu.memory_space<vmem>>[vector<16xi32>, vector<16xi32>], vector<16xf32>,
      %parallel_loop3A_299 = arith.constant 0 : i32
      %parallel_loop3A_300 = arith.index_cast %parallel_loop3A_299 : i32 to index
      %parallel_loop3A_301 = arith.index_cast %parallel_loop3A_293 : i32 to index
      %parallel_loop3A_302 = tpu.vector_load %arg15[%parallel_loop3A_300, %parallel_loop3A_301] {strides = array<i32>} : memref<2x4096xf32, #tpu.memory_space<vmem>>, vector<16xf32>,
      tpu.vector_store %arg15[%parallel_loop3A_300, %parallel_loop3A_301], %parallel_loop3A_298 {strides = array<i32>} : memref<2x4096xf32, #tpu.memory_space<vmem>>, vector<16xf32>,
      %parallel_loop3A_303 = arith.constant 1 : i32
      %parallel_loop3A_304 = vector.broadcast %parallel_loop3A_303 : i32 to vector<16xi32>
      %parallel_loop3A_305 = tpu.vector_load_idx %arg11[%parallel_loop3A_304, %parallel_loop3A_295] : memref<2x4096xf32, #tpu.memory_space<vmem>>[vector<16xi32>, vector<16xi32>], vector<16xf32>,
      %parallel_loop3A_306 = arith.constant 1 : i32
      %parallel_loop3A_307 = arith.index_cast %parallel_loop3A_306 : i32 to index
      %parallel_loop3A_308 = arith.index_cast %parallel_loop3A_293 : i32 to index
      %parallel_loop3A_309 = tpu.vector_load %arg15[%parallel_loop3A_307, %parallel_loop3A_308] {strides = array<i32>} : memref<2x4096xf32, #tpu.memory_space<vmem>>, vector<16xf32>,
      tpu.vector_store %arg15[%parallel_loop3A_307, %parallel_loop3A_308], %parallel_loop3A_305 {strides = array<i32>} : memref<2x4096xf32, #tpu.memory_space<vmem>>, vector<16xf32>,
    } {sc.loop_unroll_factor = 8 : i64, sc.parallel_access}
    %add3A_224 = arith.constant 6 : i32
    %add3A_225 = arith.addi %mul3A_2, %add3A_224 : i32
    %dma_start3A_226 = arith.constant 0 : i32
    %dma_start3A_227 = tpu.memref_slice %arg4[%add3A_225, %dma_start3A_226] : memref<16384x4096xf32, #tpu.memory_space<hbm>> -> memref<2x4096xf32, #tpu.memory_space<hbm>>
    %dma_start3A_228 = arith.constant 0 : i32
    %dma_start3A_229 = tpu.memref_slice %arg4[%add3A_225, %dma_start3A_228] : memref<16384x4096xf32, #tpu.memory_space<hbm>> -> memref<2x4096xf32, #tpu.memory_space<hbm>>
    tpu.enqueue_dma source(%arg15 : memref<2x4096xf32, #tpu.memory_space<vmem>>) target(%dma_start3A_229 : memref<2x4096xf32, #tpu.memory_space<hbm>>) target_semaphore(%arg23 : memref<!tpu.dma_semaphore, #tpu.memory_space<semaphore_mem>>)
    %add3A_230 = arith.constant 14 : i32
    %add3A_231 = arith.addi %mul3A_2, %add3A_230 : i32
    %dma_start3A_232 = arith.constant 0 : i32
    %dma_start3A_233 = tpu.memref_slice %arg2[%add3A_231, %dma_start3A_232] : memref<16384x4096xf32, #tpu.memory_space<hbm>> -> memref<2x4096xf32, #tpu.memory_space<hbm>>
    %dma_start3A_234 = arith.constant 0 : i32
    %dma_start3A_235 = tpu.memref_slice %arg2[%add3A_231, %dma_start3A_234] : memref<16384x4096xf32, #tpu.memory_space<hbm>> -> memref<2x4096xf32, #tpu.memory_space<hbm>>
    tpu.enqueue_dma source(%dma_start3A_235 : memref<2x4096xf32, #tpu.memory_space<hbm>>) target(%arg11 : memref<2x4096xf32, #tpu.memory_space<vmem>>) target_semaphore(%arg19 : memref<!tpu.dma_semaphore, #tpu.memory_space<semaphore_mem>>)
    %scan3A = arith.constant 0 : i32
    %scan3A_236 = arith.constant 1 : i32
    %scan3A_237 = arith.constant 63 : i32
    %scan3A_238 = arith.addi %scan3A_236, %scan3A_237 : i32
    %scan3A_239 = arith.constant 1 : i32
    %scan3A_240 = scf.for %scan3A_290 = %scan3A_236 to %scan3A_238 step %scan3A_239 iter_args(%scan3A_291 = %scan3A) -> (i32)  : i32 {
      %mul3A_292 = arith.constant 4 : i32
      %mul3A_293 = arith.muli %mul3A_292, %scan3A_290 : i32
      %add3A_294 = arith.constant 0 : i32
      %add3A_295 = arith.addi %mul3A_293, %add3A_294 : i32
      %mul3A_296 = arith.constant 2 : i32
      %mul3A_297 = arith.muli %add3A_295, %mul3A_296 : i32
      %add3A_298 = arith.addi %mul3A_2, %mul3A_297 : i32
      %dma_wait3A_299 = arith.constant 0 : i32
      %dma_wait3A_300 = tpu.memref_slice %arg2[%add3A_298, %dma_wait3A_299] : memref<16384x4096xf32, #tpu.memory_space<hbm>> -> memref<2x4096xf32, #tpu.memory_space<hbm>>
      %dma_wait3A_301 = arith.constant 0 : i32
      %dma_wait3A_302 = tpu.memref_slice %arg2[%add3A_298, %dma_wait3A_301] : memref<16384x4096xf32, #tpu.memory_space<hbm>> -> memref<2x4096xf32, #tpu.memory_space<hbm>>
      tpu.wait_dma2 semaphore(%arg16 : memref<!tpu.dma_semaphore, #tpu.memory_space<semaphore_mem>>) src(%dma_wait3A_302 : memref<2x4096xf32, #tpu.memory_space<hbm>>) dst(%arg8 : memref<2x4096xf32, #tpu.memory_space<vmem>>)
      %sub3A = arith.constant 4 : i32
      %sub3A_303 = arith.subi %add3A_295, %sub3A : i32
      %mul3A_304 = arith.constant 2 : i32
      %mul3A_305 = arith.muli %sub3A_303, %mul3A_304 : i32
      %add3A_306 = arith.addi %mul3A_2, %mul3A_305 : i32
      %dma_wait3A_307 = arith.constant 0 : i32
      %dma_wait3A_308 = tpu.memref_slice %arg4[%add3A_306, %dma_wait3A_307] : memref<16384x4096xf32, #tpu.memory_space<hbm>> -> memref<2x4096xf32, #tpu.memory_space<hbm>>
      %dma_wait3A_309 = arith.constant 0 : i32
      %dma_wait3A_310 = tpu.memref_slice %arg4[%add3A_306, %dma_wait3A_309] : memref<16384x4096xf32, #tpu.memory_space<hbm>> -> memref<2x4096xf32, #tpu.memory_space<hbm>>
      tpu.wait_dma2 semaphore(%arg20 : memref<!tpu.dma_semaphore, #tpu.memory_space<semaphore_mem>>) src(%arg12 : memref<2x4096xf32, #tpu.memory_space<vmem>>) dst(%dma_wait3A_310 : memref<2x4096xf32, #tpu.memory_space<hbm>>)
      %parallel_loop3A_311 = arith.constant 0 : i32
      %parallel_loop3A_312 = arith.constant 256 : i32
      %parallel_loop3A_313 = arith.constant 1 : i32
      scf.for %parallel_loop3A_455 = %parallel_loop3A_311 to %parallel_loop3A_312 step %parallel_loop3A_313  : i32 {
        %parallel_loop3A_456 = arith.constant 16 : i32
        %parallel_loop3A_457 = arith.muli %parallel_loop3A_455, %parallel_loop3A_456 : i32
        %parallel_loop3A_458 = tpu.assume_multiple %parallel_loop3A_457, 16 : i32
        %parallel_loop3A_459 = arith.index_cast %parallel_loop3A_458 : i32 to index
        %parallel_loop3A_460 = tpu.vector_load %arg6[%parallel_loop3A_459] {strides = array<i32>} : memref<4096xi32, #tpu.memory_space<vmem>>, vector<16xi32>,
        %parallel_loop3A_461 = arith.constant 0 : i32
        %parallel_loop3A_462 = vector.broadcast %parallel_loop3A_461 : i32 to vector<16xi32>
        %parallel_loop3A_463 = tpu.vector_load_idx %arg8[%parallel_loop3A_462, %parallel_loop3A_460] : memref<2x4096xf32, #tpu.memory_space<vmem>>[vector<16xi32>, vector<16xi32>], vector<16xf32>,
        %parallel_loop3A_464 = arith.constant 0 : i32
        %parallel_loop3A_465 = arith.index_cast %parallel_loop3A_464 : i32 to index
        %parallel_loop3A_466 = arith.index_cast %parallel_loop3A_458 : i32 to index
        %parallel_loop3A_467 = tpu.vector_load %arg12[%parallel_loop3A_465, %parallel_loop3A_466] {strides = array<i32>} : memref<2x4096xf32, #tpu.memory_space<vmem>>, vector<16xf32>,
        tpu.vector_store %arg12[%parallel_loop3A_465, %parallel_loop3A_466], %parallel_loop3A_463 {strides = array<i32>} : memref<2x4096xf32, #tpu.memory_space<vmem>>, vector<16xf32>,
        %parallel_loop3A_468 = arith.constant 1 : i32
        %parallel_loop3A_469 = vector.broadcast %parallel_loop3A_468 : i32 to vector<16xi32>
        %parallel_loop3A_470 = tpu.vector_load_idx %arg8[%parallel_loop3A_469, %parallel_loop3A_460] : memref<2x4096xf32, #tpu.memory_space<vmem>>[vector<16xi32>, vector<16xi32>], vector<16xf32>,
        %parallel_loop3A_471 = arith.constant 1 : i32
        %parallel_loop3A_472 = arith.index_cast %parallel_loop3A_471 : i32 to index
        %parallel_loop3A_473 = arith.index_cast %parallel_loop3A_458 : i32 to index
        %parallel_loop3A_474 = tpu.vector_load %arg12[%parallel_loop3A_472, %parallel_loop3A_473] {strides = array<i32>} : memref<2x4096xf32, #tpu.memory_space<vmem>>, vector<16xf32>,
        tpu.vector_store %arg12[%parallel_loop3A_472, %parallel_loop3A_473], %parallel_loop3A_470 {strides = array<i32>} : memref<2x4096xf32, #tpu.memory_space<vmem>>, vector<16xf32>,
      } {sc.loop_unroll_factor = 8 : i64, sc.parallel_access}
      %mul3A_314 = arith.constant 2 : i32
      %mul3A_315 = arith.muli %add3A_295, %mul3A_314 : i32
      %add3A_316 = arith.addi %mul3A_2, %mul3A_315 : i32
      %dma_start3A_317 = arith.constant 0 : i32
      %dma_start3A_318 = tpu.memref_slice %arg4[%add3A_316, %dma_start3A_317] : memref<16384x4096xf32, #tpu.memory_space<hbm>> -> memref<2x4096xf32, #tpu.memory_space<hbm>>
      %dma_start3A_319 = arith.constant 0 : i32
      %dma_start3A_320 = tpu.memref_slice %arg4[%add3A_316, %dma_start3A_319] : memref<16384x4096xf32, #tpu.memory_space<hbm>> -> memref<2x4096xf32, #tpu.memory_space<hbm>>
      tpu.enqueue_dma source(%arg12 : memref<2x4096xf32, #tpu.memory_space<vmem>>) target(%dma_start3A_320 : memref<2x4096xf32, #tpu.memory_space<hbm>>) target_semaphore(%arg20 : memref<!tpu.dma_semaphore, #tpu.memory_space<semaphore_mem>>)
      %add3A_321 = arith.constant 4 : i32
      %add3A_322 = arith.addi %add3A_295, %add3A_321 : i32
      %min3A = arith.constant 255 : i32
      %min3A_323 = arith.minsi %add3A_322, %min3A : i32
      %mul3A_324 = arith.constant 2 : i32
      %mul3A_325 = arith.muli %min3A_323, %mul3A_324 : i32
      %add3A_326 = arith.addi %mul3A_2, %mul3A_325 : i32
      %dma_start3A_327 = arith.constant 0 : i32
      %dma_start3A_328 = tpu.memref_slice %arg2[%add3A_326, %dma_start3A_327] : memref<16384x4096xf32, #tpu.memory_space<hbm>> -> memref<2x4096xf32, #tpu.memory_space<hbm>>
      %dma_start3A_329 = arith.constant 0 : i32
      %dma_start3A_330 = tpu.memref_slice %arg2[%add3A_326, %dma_start3A_329] : memref<16384x4096xf32, #tpu.memory_space<hbm>> -> memref<2x4096xf32, #tpu.memory_space<hbm>>
      tpu.enqueue_dma source(%dma_start3A_330 : memref<2x4096xf32, #tpu.memory_space<hbm>>) target(%arg8 : memref<2x4096xf32, #tpu.memory_space<vmem>>) target_semaphore(%arg16 : memref<!tpu.dma_semaphore, #tpu.memory_space<semaphore_mem>>)
      %mul3A_331 = arith.constant 4 : i32
      %mul3A_332 = arith.muli %mul3A_331, %scan3A_290 : i32
      %add3A_333 = arith.constant 1 : i32
      %add3A_334 = arith.addi %mul3A_332, %add3A_333 : i32
      %mul3A_335 = arith.constant 2 : i32
      %mul3A_336 = arith.muli %add3A_334, %mul3A_335 : i32
      %add3A_337 = arith.addi %mul3A_2, %mul3A_336 : i32
      %dma_wait3A_338 = arith.constant 0 : i32
      %dma_wait3A_339 = tpu.memref_slice %arg2[%add3A_337, %dma_wait3A_338] : memref<16384x4096xf32, #tpu.memory_space<hbm>> -> memref<2x4096xf32, #tpu.memory_space<hbm>>
      %dma_wait3A_340 = arith.constant 0 : i32
      %dma_wait3A_341 = tpu.memref_slice %arg2[%add3A_337, %dma_wait3A_340] : memref<16384x4096xf32, #tpu.memory_space<hbm>> -> memref<2x4096xf32, #tpu.memory_space<hbm>>
      tpu.wait_dma2 semaphore(%arg17 : memref<!tpu.dma_semaphore, #tpu.memory_space<semaphore_mem>>) src(%dma_wait3A_341 : memref<2x4096xf32, #tpu.memory_space<hbm>>) dst(%arg9 : memref<2x4096xf32, #tpu.memory_space<vmem>>)
      %sub3A_342 = arith.constant 4 : i32
      %sub3A_343 = arith.subi %add3A_334, %sub3A_342 : i32
      %mul3A_344 = arith.constant 2 : i32
      %mul3A_345 = arith.muli %sub3A_343, %mul3A_344 : i32
      %add3A_346 = arith.addi %mul3A_2, %mul3A_345 : i32
      %dma_wait3A_347 = arith.constant 0 : i32
      %dma_wait3A_348 = tpu.memref_slice %arg4[%add3A_346, %dma_wait3A_347] : memref<16384x4096xf32, #tpu.memory_space<hbm>> -> memref<2x4096xf32, #tpu.memory_space<hbm>>
      %dma_wait3A_349 = arith.constant 0 : i32
      %dma_wait3A_350 = tpu.memref_slice %arg4[%add3A_346, %dma_wait3A_349] : memref<16384x4096xf32, #tpu.memory_space<hbm>> -> memref<2x4096xf32, #tpu.memory_space<hbm>>
      tpu.wait_dma2 semaphore(%arg21 : memref<!tpu.dma_semaphore, #tpu.memory_space<semaphore_mem>>) src(%arg13 : memref<2x4096xf32, #tpu.memory_space<vmem>>) dst(%dma_wait3A_350 : memref<2x4096xf32, #tpu.memory_space<hbm>>)
      %parallel_loop3A_351 = arith.constant 0 : i32
      %parallel_loop3A_352 = arith.constant 256 : i32
      %parallel_loop3A_353 = arith.constant 1 : i32
      scf.for %parallel_loop3A_455 = %parallel_loop3A_351 to %parallel_loop3A_352 step %parallel_loop3A_353  : i32 {
        %parallel_loop3A_456 = arith.constant 16 : i32
        %parallel_loop3A_457 = arith.muli %parallel_loop3A_455, %parallel_loop3A_456 : i32
        %parallel_loop3A_458 = tpu.assume_multiple %parallel_loop3A_457, 16 : i32
        %parallel_loop3A_459 = arith.index_cast %parallel_loop3A_458 : i32 to index
        %parallel_loop3A_460 = tpu.vector_load %arg6[%parallel_loop3A_459] {strides = array<i32>} : memref<4096xi32, #tpu.memory_space<vmem>>, vector<16xi32>,
        %parallel_loop3A_461 = arith.constant 0 : i32
        %parallel_loop3A_462 = vector.broadcast %parallel_loop3A_461 : i32 to vector<16xi32>
        %parallel_loop3A_463 = tpu.vector_load_idx %arg9[%parallel_loop3A_462, %parallel_loop3A_460] : memref<2x4096xf32, #tpu.memory_space<vmem>>[vector<16xi32>, vector<16xi32>], vector<16xf32>,
        %parallel_loop3A_464 = arith.constant 0 : i32
        %parallel_loop3A_465 = arith.index_cast %parallel_loop3A_464 : i32 to index
        %parallel_loop3A_466 = arith.index_cast %parallel_loop3A_458 : i32 to index
        %parallel_loop3A_467 = tpu.vector_load %arg13[%parallel_loop3A_465, %parallel_loop3A_466] {strides = array<i32>} : memref<2x4096xf32, #tpu.memory_space<vmem>>, vector<16xf32>,
        tpu.vector_store %arg13[%parallel_loop3A_465, %parallel_loop3A_466], %parallel_loop3A_463 {strides = array<i32>} : memref<2x4096xf32, #tpu.memory_space<vmem>>, vector<16xf32>,
        %parallel_loop3A_468 = arith.constant 1 : i32
        %parallel_loop3A_469 = vector.broadcast %parallel_loop3A_468 : i32 to vector<16xi32>
        %parallel_loop3A_470 = tpu.vector_load_idx %arg9[%parallel_loop3A_469, %parallel_loop3A_460] : memref<2x4096xf32, #tpu.memory_space<vmem>>[vector<16xi32>, vector<16xi32>], vector<16xf32>,
        %parallel_loop3A_471 = arith.constant 1 : i32
        %parallel_loop3A_472 = arith.index_cast %parallel_loop3A_471 : i32 to index
        %parallel_loop3A_473 = arith.index_cast %parallel_loop3A_458 : i32 to index
        %parallel_loop3A_474 = tpu.vector_load %arg13[%parallel_loop3A_472, %parallel_loop3A_473] {strides = array<i32>} : memref<2x4096xf32, #tpu.memory_space<vmem>>, vector<16xf32>,
        tpu.vector_store %arg13[%parallel_loop3A_472, %parallel_loop3A_473], %parallel_loop3A_470 {strides = array<i32>} : memref<2x4096xf32, #tpu.memory_space<vmem>>, vector<16xf32>,
      } {sc.loop_unroll_factor = 8 : i64, sc.parallel_access}
      %mul3A_354 = arith.constant 2 : i32
      %mul3A_355 = arith.muli %add3A_334, %mul3A_354 : i32
      %add3A_356 = arith.addi %mul3A_2, %mul3A_355 : i32
      %dma_start3A_357 = arith.constant 0 : i32
      %dma_start3A_358 = tpu.memref_slice %arg4[%add3A_356, %dma_start3A_357] : memref<16384x4096xf32, #tpu.memory_space<hbm>> -> memref<2x4096xf32, #tpu.memory_space<hbm>>
      %dma_start3A_359 = arith.constant 0 : i32
      %dma_start3A_360 = tpu.memref_slice %arg4[%add3A_356, %dma_start3A_359] : memref<16384x4096xf32, #tpu.memory_space<hbm>> -> memref<2x4096xf32, #tpu.memory_space<hbm>>
      tpu.enqueue_dma source(%arg13 : memref<2x4096xf32, #tpu.memory_space<vmem>>) target(%dma_start3A_360 : memref<2x4096xf32, #tpu.memory_space<hbm>>) target_semaphore(%arg21 : memref<!tpu.dma_semaphore, #tpu.memory_space<semaphore_mem>>)
      %add3A_361 = arith.constant 4 : i32
      %add3A_362 = arith.addi %add3A_334, %add3A_361 : i32
      %min3A_363 = arith.constant 255 : i32
      %min3A_364 = arith.minsi %add3A_362, %min3A_363 : i32
      %mul3A_365 = arith.constant 2 : i32
      %mul3A_366 = arith.muli %min3A_364, %mul3A_365 : i32
      %add3A_367 = arith.addi %mul3A_2, %mul3A_366 : i32
      %dma_start3A_368 = arith.constant 0 : i32
      %dma_start3A_369 = tpu.memref_slice %arg2[%add3A_367, %dma_start3A_368] : memref<16384x4096xf32, #tpu.memory_space<hbm>> -> memref<2x4096xf32, #tpu.memory_space<hbm>>
      %dma_start3A_370 = arith.constant 0 : i32
      %dma_start3A_371 = tpu.memref_slice %arg2[%add3A_367, %dma_start3A_370] : memref<16384x4096xf32, #tpu.memory_space<hbm>> -> memref<2x4096xf32, #tpu.memory_space<hbm>>
      tpu.enqueue_dma source(%dma_start3A_371 : memref<2x4096xf32, #tpu.memory_space<hbm>>) target(%arg9 : memref<2x4096xf32, #tpu.memory_space<vmem>>) target_semaphore(%arg17 : memref<!tpu.dma_semaphore, #tpu.memory_space<semaphore_mem>>)
      %mul3A_372 = arith.constant 4 : i32
      %mul3A_373 = arith.muli %mul3A_372, %scan3A_290 : i32
      %add3A_374 = arith.constant 2 : i32
      %add3A_375 = arith.addi %mul3A_373, %add3A_374 : i32
      %mul3A_376 = arith.constant 2 : i32
      %mul3A_377 = arith.muli %add3A_375, %mul3A_376 : i32
      %add3A_378 = arith.addi %mul3A_2, %mul3A_377 : i32
      %dma_wait3A_379 = arith.constant 0 : i32
      %dma_wait3A_380 = tpu.memref_slice %arg2[%add3A_378, %dma_wait3A_379] : memref<16384x4096xf32, #tpu.memory_space<hbm>> -> memref<2x4096xf32, #tpu.memory_space<hbm>>
      %dma_wait3A_381 = arith.constant 0 : i32
      %dma_wait3A_382 = tpu.memref_slice %arg2[%add3A_378, %dma_wait3A_381] : memref<16384x4096xf32, #tpu.memory_space<hbm>> -> memref<2x4096xf32, #tpu.memory_space<hbm>>
      tpu.wait_dma2 semaphore(%arg18 : memref<!tpu.dma_semaphore, #tpu.memory_space<semaphore_mem>>) src(%dma_wait3A_382 : memref<2x4096xf32, #tpu.memory_space<hbm>>) dst(%arg10 : memref<2x4096xf32, #tpu.memory_space<vmem>>)
      %sub3A_383 = arith.constant 4 : i32
      %sub3A_384 = arith.subi %add3A_375, %sub3A_383 : i32
      %mul3A_385 = arith.constant 2 : i32
      %mul3A_386 = arith.muli %sub3A_384, %mul3A_385 : i32
      %add3A_387 = arith.addi %mul3A_2, %mul3A_386 : i32
      %dma_wait3A_388 = arith.constant 0 : i32
      %dma_wait3A_389 = tpu.memref_slice %arg4[%add3A_387, %dma_wait3A_388] : memref<16384x4096xf32, #tpu.memory_space<hbm>> -> memref<2x4096xf32, #tpu.memory_space<hbm>>
      %dma_wait3A_390 = arith.constant 0 : i32
      %dma_wait3A_391 = tpu.memref_slice %arg4[%add3A_387, %dma_wait3A_390] : memref<16384x4096xf32, #tpu.memory_space<hbm>> -> memref<2x4096xf32, #tpu.memory_space<hbm>>
      tpu.wait_dma2 semaphore(%arg22 : memref<!tpu.dma_semaphore, #tpu.memory_space<semaphore_mem>>) src(%arg14 : memref<2x4096xf32, #tpu.memory_space<vmem>>) dst(%dma_wait3A_391 : memref<2x4096xf32, #tpu.memory_space<hbm>>)
      %parallel_loop3A_392 = arith.constant 0 : i32
      %parallel_loop3A_393 = arith.constant 256 : i32
      %parallel_loop3A_394 = arith.constant 1 : i32
      scf.for %parallel_loop3A_455 = %parallel_loop3A_392 to %parallel_loop3A_393 step %parallel_loop3A_394  : i32 {
        %parallel_loop3A_456 = arith.constant 16 : i32
        %parallel_loop3A_457 = arith.muli %parallel_loop3A_455, %parallel_loop3A_456 : i32
        %parallel_loop3A_458 = tpu.assume_multiple %parallel_loop3A_457, 16 : i32
        %parallel_loop3A_459 = arith.index_cast %parallel_loop3A_458 : i32 to index
        %parallel_loop3A_460 = tpu.vector_load %arg6[%parallel_loop3A_459] {strides = array<i32>} : memref<4096xi32, #tpu.memory_space<vmem>>, vector<16xi32>,
        %parallel_loop3A_461 = arith.constant 0 : i32
        %parallel_loop3A_462 = vector.broadcast %parallel_loop3A_461 : i32 to vector<16xi32>
        %parallel_loop3A_463 = tpu.vector_load_idx %arg10[%parallel_loop3A_462, %parallel_loop3A_460] : memref<2x4096xf32, #tpu.memory_space<vmem>>[vector<16xi32>, vector<16xi32>], vector<16xf32>,
        %parallel_loop3A_464 = arith.constant 0 : i32
        %parallel_loop3A_465 = arith.index_cast %parallel_loop3A_464 : i32 to index
        %parallel_loop3A_466 = arith.index_cast %parallel_loop3A_458 : i32 to index
        %parallel_loop3A_467 = tpu.vector_load %arg14[%parallel_loop3A_465, %parallel_loop3A_466] {strides = array<i32>} : memref<2x4096xf32, #tpu.memory_space<vmem>>, vector<16xf32>,
        tpu.vector_store %arg14[%parallel_loop3A_465, %parallel_loop3A_466], %parallel_loop3A_463 {strides = array<i32>} : memref<2x4096xf32, #tpu.memory_space<vmem>>, vector<16xf32>,
        %parallel_loop3A_468 = arith.constant 1 : i32
        %parallel_loop3A_469 = vector.broadcast %parallel_loop3A_468 : i32 to vector<16xi32>
        %parallel_loop3A_470 = tpu.vector_load_idx %arg10[%parallel_loop3A_469, %parallel_loop3A_460] : memref<2x4096xf32, #tpu.memory_space<vmem>>[vector<16xi32>, vector<16xi32>], vector<16xf32>,
        %parallel_loop3A_471 = arith.constant 1 : i32
        %parallel_loop3A_472 = arith.index_cast %parallel_loop3A_471 : i32 to index
        %parallel_loop3A_473 = arith.index_cast %parallel_loop3A_458 : i32 to index
        %parallel_loop3A_474 = tpu.vector_load %arg14[%parallel_loop3A_472, %parallel_loop3A_473] {strides = array<i32>} : memref<2x4096xf32, #tpu.memory_space<vmem>>, vector<16xf32>,
        tpu.vector_store %arg14[%parallel_loop3A_472, %parallel_loop3A_473], %parallel_loop3A_470 {strides = array<i32>} : memref<2x4096xf32, #tpu.memory_space<vmem>>, vector<16xf32>,
      } {sc.loop_unroll_factor = 8 : i64, sc.parallel_access}
      %mul3A_395 = arith.constant 2 : i32
      %mul3A_396 = arith.muli %add3A_375, %mul3A_395 : i32
      %add3A_397 = arith.addi %mul3A_2, %mul3A_396 : i32
      %dma_start3A_398 = arith.constant 0 : i32
      %dma_start3A_399 = tpu.memref_slice %arg4[%add3A_397, %dma_start3A_398] : memref<16384x4096xf32, #tpu.memory_space<hbm>> -> memref<2x4096xf32, #tpu.memory_space<hbm>>
      %dma_start3A_400 = arith.constant 0 : i32
      %dma_start3A_401 = tpu.memref_slice %arg4[%add3A_397, %dma_start3A_400] : memref<16384x4096xf32, #tpu.memory_space<hbm>> -> memref<2x4096xf32, #tpu.memory_space<hbm>>
      tpu.enqueue_dma source(%arg14 : memref<2x4096xf32, #tpu.memory_space<vmem>>) target(%dma_start3A_401 : memref<2x4096xf32, #tpu.memory_space<hbm>>) target_semaphore(%arg22 : memref<!tpu.dma_semaphore, #tpu.memory_space<semaphore_mem>>)
      %add3A_402 = arith.constant 4 : i32
      %add3A_403 = arith.addi %add3A_375, %add3A_402 : i32
      %min3A_404 = arith.constant 255 : i32
      %min3A_405 = arith.minsi %add3A_403, %min3A_404 : i32
      %mul3A_406 = arith.constant 2 : i32
      %mul3A_407 = arith.muli %min3A_405, %mul3A_406 : i32
      %add3A_408 = arith.addi %mul3A_2, %mul3A_407 : i32
      %dma_start3A_409 = arith.constant 0 : i32
      %dma_start3A_410 = tpu.memref_slice %arg2[%add3A_408, %dma_start3A_409] : memref<16384x4096xf32, #tpu.memory_space<hbm>> -> memref<2x4096xf32, #tpu.memory_space<hbm>>
      %dma_start3A_411 = arith.constant 0 : i32
      %dma_start3A_412 = tpu.memref_slice %arg2[%add3A_408, %dma_start3A_411] : memref<16384x4096xf32, #tpu.memory_space<hbm>> -> memref<2x4096xf32, #tpu.memory_space<hbm>>
      tpu.enqueue_dma source(%dma_start3A_412 : memref<2x4096xf32, #tpu.memory_space<hbm>>) target(%arg10 : memref<2x4096xf32, #tpu.memory_space<vmem>>) target_semaphore(%arg18 : memref<!tpu.dma_semaphore, #tpu.memory_space<semaphore_mem>>)
      %mul3A_413 = arith.constant 4 : i32
      %mul3A_414 = arith.muli %mul3A_413, %scan3A_290 : i32
      %add3A_415 = arith.constant 3 : i32
      %add3A_416 = arith.addi %mul3A_414, %add3A_415 : i32
      %mul3A_417 = arith.constant 2 : i32
      %mul3A_418 = arith.muli %add3A_416, %mul3A_417 : i32
      %add3A_419 = arith.addi %mul3A_2, %mul3A_418 : i32
      %dma_wait3A_420 = arith.constant 0 : i32
      %dma_wait3A_421 = tpu.memref_slice %arg2[%add3A_419, %dma_wait3A_420] : memref<16384x4096xf32, #tpu.memory_space<hbm>> -> memref<2x4096xf32, #tpu.memory_space<hbm>>
      %dma_wait3A_422 = arith.constant 0 : i32
      %dma_wait3A_423 = tpu.memref_slice %arg2[%add3A_419, %dma_wait3A_422] : memref<16384x4096xf32, #tpu.memory_space<hbm>> -> memref<2x4096xf32, #tpu.memory_space<hbm>>
      tpu.wait_dma2 semaphore(%arg19 : memref<!tpu.dma_semaphore, #tpu.memory_space<semaphore_mem>>) src(%dma_wait3A_423 : memref<2x4096xf32, #tpu.memory_space<hbm>>) dst(%arg11 : memref<2x4096xf32, #tpu.memory_space<vmem>>)
      %sub3A_424 = arith.constant 4 : i32
      %sub3A_425 = arith.subi %add3A_416, %sub3A_424 : i32
      %mul3A_426 = arith.constant 2 : i32
      %mul3A_427 = arith.muli %sub3A_425, %mul3A_426 : i32
      %add3A_428 = arith.addi %mul3A_2, %mul3A_427 : i32
      %dma_wait3A_429 = arith.constant 0 : i32
      %dma_wait3A_430 = tpu.memref_slice %arg4[%add3A_428, %dma_wait3A_429] : memref<16384x4096xf32, #tpu.memory_space<hbm>> -> memref<2x4096xf32, #tpu.memory_space<hbm>>
      %dma_wait3A_431 = arith.constant 0 : i32
      %dma_wait3A_432 = tpu.memref_slice %arg4[%add3A_428, %dma_wait3A_431] : memref<16384x4096xf32, #tpu.memory_space<hbm>> -> memref<2x4096xf32, #tpu.memory_space<hbm>>
      tpu.wait_dma2 semaphore(%arg23 : memref<!tpu.dma_semaphore, #tpu.memory_space<semaphore_mem>>) src(%arg15 : memref<2x4096xf32, #tpu.memory_space<vmem>>) dst(%dma_wait3A_432 : memref<2x4096xf32, #tpu.memory_space<hbm>>)
      %parallel_loop3A_433 = arith.constant 0 : i32
      %parallel_loop3A_434 = arith.constant 256 : i32
      %parallel_loop3A_435 = arith.constant 1 : i32
      scf.for %parallel_loop3A_455 = %parallel_loop3A_433 to %parallel_loop3A_434 step %parallel_loop3A_435  : i32 {
        %parallel_loop3A_456 = arith.constant 16 : i32
        %parallel_loop3A_457 = arith.muli %parallel_loop3A_455, %parallel_loop3A_456 : i32
        %parallel_loop3A_458 = tpu.assume_multiple %parallel_loop3A_457, 16 : i32
        %parallel_loop3A_459 = arith.index_cast %parallel_loop3A_458 : i32 to index
        %parallel_loop3A_460 = tpu.vector_load %arg6[%parallel_loop3A_459] {strides = array<i32>} : memref<4096xi32, #tpu.memory_space<vmem>>, vector<16xi32>,
        %parallel_loop3A_461 = arith.constant 0 : i32
        %parallel_loop3A_462 = vector.broadcast %parallel_loop3A_461 : i32 to vector<16xi32>
        %parallel_loop3A_463 = tpu.vector_load_idx %arg11[%parallel_loop3A_462, %parallel_loop3A_460] : memref<2x4096xf32, #tpu.memory_space<vmem>>[vector<16xi32>, vector<16xi32>], vector<16xf32>,
        %parallel_loop3A_464 = arith.constant 0 : i32
        %parallel_loop3A_465 = arith.index_cast %parallel_loop3A_464 : i32 to index
        %parallel_loop3A_466 = arith.index_cast %parallel_loop3A_458 : i32 to index
        %parallel_loop3A_467 = tpu.vector_load %arg15[%parallel_loop3A_465, %parallel_loop3A_466] {strides = array<i32>} : memref<2x4096xf32, #tpu.memory_space<vmem>>, vector<16xf32>,
        tpu.vector_store %arg15[%parallel_loop3A_465, %parallel_loop3A_466], %parallel_loop3A_463 {strides = array<i32>} : memref<2x4096xf32, #tpu.memory_space<vmem>>, vector<16xf32>,
        %parallel_loop3A_468 = arith.constant 1 : i32
        %parallel_loop3A_469 = vector.broadcast %parallel_loop3A_468 : i32 to vector<16xi32>
        %parallel_loop3A_470 = tpu.vector_load_idx %arg11[%parallel_loop3A_469, %parallel_loop3A_460] : memref<2x4096xf32, #tpu.memory_space<vmem>>[vector<16xi32>, vector<16xi32>], vector<16xf32>,
        %parallel_loop3A_471 = arith.constant 1 : i32
        %parallel_loop3A_472 = arith.index_cast %parallel_loop3A_471 : i32 to index
        %parallel_loop3A_473 = arith.index_cast %parallel_loop3A_458 : i32 to index
        %parallel_loop3A_474 = tpu.vector_load %arg15[%parallel_loop3A_472, %parallel_loop3A_473] {strides = array<i32>} : memref<2x4096xf32, #tpu.memory_space<vmem>>, vector<16xf32>,
        tpu.vector_store %arg15[%parallel_loop3A_472, %parallel_loop3A_473], %parallel_loop3A_470 {strides = array<i32>} : memref<2x4096xf32, #tpu.memory_space<vmem>>, vector<16xf32>,
      } {sc.loop_unroll_factor = 8 : i64, sc.parallel_access}
      %mul3A_436 = arith.constant 2 : i32
      %mul3A_437 = arith.muli %add3A_416, %mul3A_436 : i32
      %add3A_438 = arith.addi %mul3A_2, %mul3A_437 : i32
      %dma_start3A_439 = arith.constant 0 : i32
      %dma_start3A_440 = tpu.memref_slice %arg4[%add3A_438, %dma_start3A_439] : memref<16384x4096xf32, #tpu.memory_space<hbm>> -> memref<2x4096xf32, #tpu.memory_space<hbm>>
      %dma_start3A_441 = arith.constant 0 : i32
      %dma_start3A_442 = tpu.memref_slice %arg4[%add3A_438, %dma_start3A_441] : memref<16384x4096xf32, #tpu.memory_space<hbm>> -> memref<2x4096xf32, #tpu.memory_space<hbm>>
      tpu.enqueue_dma source(%arg15 : memref<2x4096xf32, #tpu.memory_space<vmem>>) target(%dma_start3A_442 : memref<2x4096xf32, #tpu.memory_space<hbm>>) target_semaphore(%arg23 : memref<!tpu.dma_semaphore, #tpu.memory_space<semaphore_mem>>)
      %add3A_443 = arith.constant 4 : i32
      %add3A_444 = arith.addi %add3A_416, %add3A_443 : i32
      %min3A_445 = arith.constant 255 : i32
      %min3A_446 = arith.minsi %add3A_444, %min3A_445 : i32
      %mul3A_447 = arith.constant 2 : i32
      %mul3A_448 = arith.muli %min3A_446, %mul3A_447 : i32
      %add3A_449 = arith.addi %mul3A_2, %mul3A_448 : i32
      %dma_start3A_450 = arith.constant 0 : i32
      %dma_start3A_451 = tpu.memref_slice %arg2[%add3A_449, %dma_start3A_450] : memref<16384x4096xf32, #tpu.memory_space<hbm>> -> memref<2x4096xf32, #tpu.memory_space<hbm>>
      %dma_start3A_452 = arith.constant 0 : i32
      %dma_start3A_453 = tpu.memref_slice %arg2[%add3A_449, %dma_start3A_452] : memref<16384x4096xf32, #tpu.memory_space<hbm>> -> memref<2x4096xf32, #tpu.memory_space<hbm>>
      tpu.enqueue_dma source(%dma_start3A_453 : memref<2x4096xf32, #tpu.memory_space<hbm>>) target(%arg11 : memref<2x4096xf32, #tpu.memory_space<vmem>>) target_semaphore(%arg19 : memref<!tpu.dma_semaphore, #tpu.memory_space<semaphore_mem>>)
      %scan3A_454 = arith.constant 0 : i32
      scf.yield %scan3A_454 : i32
    }
    %scan3A_241 = arith.constant 63 : i32
    %add3A_242 = arith.constant 510 : i32
    %add3A_243 = arith.addi %mul3A_2, %add3A_242 : i32
    %dma_wait3A_244 = arith.constant 0 : i32
    %dma_wait3A_245 = tpu.memref_slice %arg2[%add3A_243, %dma_wait3A_244] : memref<16384x4096xf32, #tpu.memory_space<hbm>> -> memref<2x4096xf32, #tpu.memory_space<hbm>>
    %dma_wait3A_246 = arith.constant 0 : i32
    %dma_wait3A_247 = tpu.memref_slice %arg2[%add3A_243, %dma_wait3A_246] : memref<16384x4096xf32, #tpu.memory_space<hbm>> -> memref<2x4096xf32, #tpu.memory_space<hbm>>
    tpu.wait_dma2 semaphore(%arg16 : memref<!tpu.dma_semaphore, #tpu.memory_space<semaphore_mem>>) src(%dma_wait3A_247 : memref<2x4096xf32, #tpu.memory_space<hbm>>) dst(%arg8 : memref<2x4096xf32, #tpu.memory_space<vmem>>)
    %add3A_248 = arith.constant 504 : i32
    %add3A_249 = arith.addi %mul3A_2, %add3A_248 : i32
    %dma_wait3A_250 = arith.constant 0 : i32
    %dma_wait3A_251 = tpu.memref_slice %arg4[%add3A_249, %dma_wait3A_250] : memref<16384x4096xf32, #tpu.memory_space<hbm>> -> memref<2x4096xf32, #tpu.memory_space<hbm>>
    %dma_wait3A_252 = arith.constant 0 : i32
    %dma_wait3A_253 = tpu.memref_slice %arg4[%add3A_249, %dma_wait3A_252] : memref<16384x4096xf32, #tpu.memory_space<hbm>> -> memref<2x4096xf32, #tpu.memory_space<hbm>>
    tpu.wait_dma2 semaphore(%arg20 : memref<!tpu.dma_semaphore, #tpu.memory_space<semaphore_mem>>) src(%arg12 : memref<2x4096xf32, #tpu.memory_space<vmem>>) dst(%dma_wait3A_253 : memref<2x4096xf32, #tpu.memory_space<hbm>>)
    %add3A_254 = arith.constant 510 : i32
    %add3A_255 = arith.addi %mul3A_2, %add3A_254 : i32
    %dma_wait3A_256 = arith.constant 0 : i32
    %dma_wait3A_257 = tpu.memref_slice %arg2[%add3A_255, %dma_wait3A_256] : memref<16384x4096xf32, #tpu.memory_space<hbm>> -> memref<2x4096xf32, #tpu.memory_space<hbm>>
    %dma_wait3A_258 = arith.constant 0 : i32
    %dma_wait3A_259 = tpu.memref_slice %arg2[%add3A_255, %dma_wait3A_258] : memref<16384x4096xf32, #tpu.memory_space<hbm>> -> memref<2x4096xf32, #tpu.memory_space<hbm>>
    tpu.wait_dma2 semaphore(%arg17 : memref<!tpu.dma_semaphore, #tpu.memory_space<semaphore_mem>>) src(%dma_wait3A_259 : memref<2x4096xf32, #tpu.memory_space<hbm>>) dst(%arg9 : memref<2x4096xf32, #tpu.memory_space<vmem>>)
    %add3A_260 = arith.constant 506 : i32
    %add3A_261 = arith.addi %mul3A_2, %add3A_260 : i32
    %dma_wait3A_262 = arith.constant 0 : i32
    %dma_wait3A_263 = tpu.memref_slice %arg4[%add3A_261, %dma_wait3A_262] : memref<16384x4096xf32, #tpu.memory_space<hbm>> -> memref<2x4096xf32, #tpu.memory_space<hbm>>
    %dma_wait3A_264 = arith.constant 0 : i32
    %dma_wait3A_265 = tpu.memref_slice %arg4[%add3A_261, %dma_wait3A_264] : memref<16384x4096xf32, #tpu.memory_space<hbm>> -> memref<2x4096xf32, #tpu.memory_space<hbm>>
    tpu.wait_dma2 semaphore(%arg21 : memref<!tpu.dma_semaphore, #tpu.memory_space<semaphore_mem>>) src(%arg13 : memref<2x4096xf32, #tpu.memory_space<vmem>>) dst(%dma_wait3A_265 : memref<2x4096xf32, #tpu.memory_space<hbm>>)
    %add3A_266 = arith.constant 510 : i32
    %add3A_267 = arith.addi %mul3A_2, %add3A_266 : i32
    %dma_wait3A_268 = arith.constant 0 : i32
    %dma_wait3A_269 = tpu.memref_slice %arg2[%add3A_267, %dma_wait3A_268] : memref<16384x4096xf32, #tpu.memory_space<hbm>> -> memref<2x4096xf32, #tpu.memory_space<hbm>>
    %dma_wait3A_270 = arith.constant 0 : i32
    %dma_wait3A_271 = tpu.memref_slice %arg2[%add3A_267, %dma_wait3A_270] : memref<16384x4096xf32, #tpu.memory_space<hbm>> -> memref<2x4096xf32, #tpu.memory_space<hbm>>
    tpu.wait_dma2 semaphore(%arg18 : memref<!tpu.dma_semaphore, #tpu.memory_space<semaphore_mem>>) src(%dma_wait3A_271 : memref<2x4096xf32, #tpu.memory_space<hbm>>) dst(%arg10 : memref<2x4096xf32, #tpu.memory_space<vmem>>)
    %add3A_272 = arith.constant 508 : i32
    %add3A_273 = arith.addi %mul3A_2, %add3A_272 : i32
    %dma_wait3A_274 = arith.constant 0 : i32
    %dma_wait3A_275 = tpu.memref_slice %arg4[%add3A_273, %dma_wait3A_274] : memref<16384x4096xf32, #tpu.memory_space<hbm>> -> memref<2x4096xf32, #tpu.memory_space<hbm>>
    %dma_wait3A_276 = arith.constant 0 : i32
    %dma_wait3A_277 = tpu.memref_slice %arg4[%add3A_273, %dma_wait3A_276] : memref<16384x4096xf32, #tpu.memory_space<hbm>> -> memref<2x4096xf32, #tpu.memory_space<hbm>>
    tpu.wait_dma2 semaphore(%arg22 : memref<!tpu.dma_semaphore, #tpu.memory_space<semaphore_mem>>) src(%arg14 : memref<2x4096xf32, #tpu.memory_space<vmem>>) dst(%dma_wait3A_277 : memref<2x4096xf32, #tpu.memory_space<hbm>>)
    %add3A_278 = arith.constant 510 : i32
    %add3A_279 = arith.addi %mul3A_2, %add3A_278 : i32
    %dma_wait3A_280 = arith.constant 0 : i32
    %dma_wait3A_281 = tpu.memref_slice %arg2[%add3A_279, %dma_wait3A_280] : memref<16384x4096xf32, #tpu.memory_space<hbm>> -> memref<2x4096xf32, #tpu.memory_space<hbm>>
    %dma_wait3A_282 = arith.constant 0 : i32
    %dma_wait3A_283 = tpu.memref_slice %arg2[%add3A_279, %dma_wait3A_282] : memref<16384x4096xf32, #tpu.memory_space<hbm>> -> memref<2x4096xf32, #tpu.memory_space<hbm>>
    tpu.wait_dma2 semaphore(%arg19 : memref<!tpu.dma_semaphore, #tpu.memory_space<semaphore_mem>>) src(%dma_wait3A_283 : memref<2x4096xf32, #tpu.memory_space<hbm>>) dst(%arg11 : memref<2x4096xf32, #tpu.memory_space<vmem>>)
    %add3A_284 = arith.constant 510 : i32
    %add3A_285 = arith.addi %mul3A_2, %add3A_284 : i32
    %dma_wait3A_286 = arith.constant 0 : i32
    %dma_wait3A_287 = tpu.memref_slice %arg4[%add3A_285, %dma_wait3A_286] : memref<16384x4096xf32, #tpu.memory_space<hbm>> -> memref<2x4096xf32, #tpu.memory_space<hbm>>
    %dma_wait3A_288 = arith.constant 0 : i32
    %dma_wait3A_289 = tpu.memref_slice %arg4[%add3A_285, %dma_wait3A_288] : memref<16384x4096xf32, #tpu.memory_space<hbm>> -> memref<2x4096xf32, #tpu.memory_space<hbm>>
    tpu.wait_dma2 semaphore(%arg23 : memref<!tpu.dma_semaphore, #tpu.memory_space<semaphore_mem>>) src(%arg15 : memref<2x4096xf32, #tpu.memory_space<vmem>>) dst(%dma_wait3A_289 : memref<2x4096xf32, #tpu.memory_space<hbm>>)
    return
  }
}

</mosaic_0001>

<sc_bundles>
// kernel: kernel.3.cloned.1.call-start
scs
__scs_entry_jumppad:
0x0: {  	(pc) =	sbr.rel $0x88, $3  }
0x1: {  	(tag) =	ssettag $0x0;
	lr =	simm.s32 $0x1  }
0x2: {  	[smem:$0x3F9F] =	sst lr;
	_ =	strace $0xD0000000  }
0x3: {  	_ = 	snop  }
0x4: {  	_ = 	snop  }
0x5: {  	_ = 	snop  }
0x6: {  	_ = 	snop  }
0x7: {  	_ = 	snop  }
__scs_overlays_trampoline_lowered:
0x8: {  	[smem:$0x3FAE] =	sst s0  }
0x9: {  	[smem:$0x3FAF] =	sst s1  }
0xa: {  	[smem:$0x3FB0] =	sst s2  }
0xb: {  	[smem:$0x3FB1] =	sst s3  }
0xc: {  	[smem:$0x3FB2] =	sst s4  }
0xd: {  	[smem:$0x3FB3] =	sst s5  }
0xe: {  	[smem:$0x3FB4] =	sst s6  }
0xf: {  	[smem:$0x3FB5] =	sst s7  }
0x10: {  	[smem:$0x3FB6] =	sst s8  }
0x11: {  	[smem:$0x3FB7] =	sst s9;
	s0 =	simm.s32 @!p0 $0x0  }
0x12: {  	s1 =	sld [smem:$0x3F9D];
	s0 =	simm.s32 @p0 $0x1  }
0x13: {  	[smem:$0x3FB8] =	sst s0;
	s0 =	simm.s32 @!p1 $0x0  }
0x14: {  	s2 =	sld [smem:$0x3F9C];
	s0 =	simm.s32 @p1 $0x1  }
0x15: {  	[smem:$0x3FB9] =	sst s0;
	s0 =	simm.s32 @!p2 $0x0  }
0x16: {  	s3 =	sld [smem:$0x3FDB];
	s0 =	simm.s32 @p2 $0x1  }
0x17: {  	s4 =	simm.s32 $0x1BF5;
	[smem:$0x3FBB] =	sst s0  }
0x18: {  	s0 =	sld [smem:$0x3F9E];
	_ =	swait.ge [sflag:s4], $0x0  }
0x19: {  	s7 =	sld [smem:$0x3F9F]  }
0x1a: {  	s8 =	sadd.s32 $0xFFFFE003, lr  }
0x1b: {  	s9 =	sadd.s32 $0xFFFFFEF7, lr;
	s5 =	simm.s32 $0xFFFFFFFF;
	p2 =	slt.u32 s8, $0xFFFFF086  }
0x1c: {  	p1 =	slt.u32 s9, $0xF7A;
	s5 =	simm.s32 @!p2 $0x0  }
0x1d: {  	s5 =	simm.s32 @p1 $0x1;
	p0 =	seq.s32 s7, s2  }
0x1e: {  	s7 =	smul.u32 @!p0 $0xF7A, s2;
	p2 =	seq.s32 @!p0 s5, $0x0  }
0x1f: {  	s9 =	smul.u32 $0xF7A, s1;
	s8 =	simm.s32 @!p0 $0x1BF5;
	p2 =	por !p2, p0  }
0x20: {  	[sflag:s8] =	ssyncset.s32 @!p0 $0xFFFFF086;
	s6 =	sadd.s32 @!p0 s3, s7;
	s7 =	simm.s32 @!p0 $0x108  }
0x21: {  	s3 =	sadd.s32 s3, s9;
	s6 =	sadd.s32 @!p0 $0x88, s6;
	s7 =	simm.s32 @p2 $0x1082  }
0x22: {  	[simem:s7], [sflag:s8] =	dma.local @!p0 [hbm:s6], $0xF7A  }
0x23: {  	s9 =	sor.u32 $0xD0000000, s2;
	s6 =	simm.s32 $0x108;
	_ =	swait.ge @!p0 [sflag:s8], $0x0  }
0x24: {  	s3 =	sadd.s32 $0x88, s3;
	s6 =	simm.s32 @!p1 $0x1082;
	[sflag:s4] =	ssyncset.s32 $0xFFFFF086  }
0x25: {  	[simem:s6], [sflag:s4] =	dma.local [hbm:s3], $0xF7A  }
0x26: {  	[smem:$0x3F9F] =	sst s1;
	(tag) =	ssettag s2;
	_ =	strace s9  }
0x27: {  	s1 =	sld [smem:$0x3FAF]  }
0x28: {  	s2 =	sld [smem:$0x3FB0]  }
0x29: {  	s4 =	sld [smem:$0x3FB2]  }
0x2a: {  	p0 =	seq.s32 s5, $0x0;
	s5 =	sld [smem:$0x3FB3]  }
0x2b: {  	s6 =	sld [smem:$0x3FB4]  }
0x2c: {  	s7 =	sld [smem:$0x3FB5]  }
0x2d: {  	s3 =	simm.s32 $0x108;
	s8 =	sld [smem:$0x3FB6]  }
0x2e: {  	s3 =	simm.s32 @!p0 $0x1082;
	s9 =	sld [smem:$0x3FB7]  }
0x2f: {  	lr =	sadd.s32 s0, s3;
	s0 =	sld [smem:$0x3FAE]  }
0x30: {  	s3 =	sld [smem:$0x3FB1]  }
0x31: {  	[smem:$0x3FBA] =	sst s10  }
0x32: {  	s10 =	sld [smem:$0x3FB8];
	_ =	sdelay $0x3  }
0x33: {  	p0 =	seq.s32 s10, $0x1;
	s10 =	sld [smem:$0x3FBA];
	_ =	sdelay $0x3  }
0x34: {  	[smem:$0x3FBA] =	sst s10  }
0x35: {  	s10 =	sld [smem:$0x3FB9];
	_ =	sdelay $0x3  }
0x36: {  	p1 =	seq.s32 s10, $0x1;
	s10 =	sld [smem:$0x3FBA];
	_ =	sdelay $0x3  }
0x37: {  	[smem:$0x3FBA] =	sst s10  }
0x38: {  	s10 =	sld [smem:$0x3FBB]  }
0x39: {  	_ = 	snop;
	(pc) =	sbr.ind lr, $3  }
0x3a: {  	_ = 	snop  }
0x3b: {  	_ = 	snop  }
0x3c: {  	p2 =	seq.s32 s10, $0x1;
	s10 =	sld [smem:$0x3FBA]  }
0x3d: {  	_ =	shalt  }
0x3e: {  	_ =	shalt  }
0x3f: {  	_ =	shalt  }
0x40: {  	_ =	shalt  }
0x41: {  	_ =	shalt  }
0x42: {  	_ =	shalt  }
0x43: {  	_ =	shalt  }
0x44: {  	_ =	shalt  }
0x45: {  	_ =	shalt  }
0x46: {  	_ =	shalt  }
0x47: {  	_ =	shalt  }
0x48: {  	_ =	shalt  }
0x49: {  	_ =	shalt  }
0x4a: {  	_ =	shalt  }
0x4b: {  	_ =	shalt  }
0x4c: {  	_ =	shalt  }
0x4d: {  	_ =	shalt  }
0x4e: {  	_ =	shalt  }
0x4f: {  	_ =	shalt  }
0x50: {  	_ =	shalt  }
0x51: {  	_ =	shalt  }
0x52: {  	_ =	shalt  }
0x53: {  	_ =	shalt  }
0x54: {  	_ =	shalt  }
0x55: {  	_ =	shalt  }
0x56: {  	_ =	shalt  }
0x57: {  	_ =	shalt  }
0x58: {  	_ =	shalt  }
0x59: {  	_ =	shalt  }
0x5a: {  	_ =	shalt  }
0x5b: {  	_ =	shalt  }
0x5c: {  	_ =	shalt  }
0x5d: {  	_ =	shalt  }
0x5e: {  	_ =	shalt  }
0x5f: {  	_ =	shalt  }
0x60: {  	_ =	shalt  }
0x61: {  	_ =	shalt  }
0x62: {  	_ =	shalt  }
0x63: {  	_ =	shalt  }
0x64: {  	_ =	shalt  }
0x65: {  	_ =	shalt  }
0x66: {  	_ =	shalt  }
0x67: {  	_ =	shalt  }
0x68: {  	_ =	shalt  }
0x69: {  	_ =	shalt  }
0x6a: {  	_ =	shalt  }
0x6b: {  	_ =	shalt  }
0x6c: {  	_ =	shalt  }
0x6d: {  	_ =	shalt  }
0x6e: {  	_ =	shalt  }
0x6f: {  	_ =	shalt  }
0x70: {  	_ =	shalt  }
0x71: {  	_ =	shalt  }
0x72: {  	_ =	shalt  }
0x73: {  	_ =	shalt  }
0x74: {  	_ =	shalt  }
0x75: {  	_ =	shalt  }
0x76: {  	_ =	shalt  }
0x77: {  	_ =	shalt  }
0x78: {  	_ =	shalt  }
0x79: {  	_ =	shalt  }
0x7a: {  	_ =	shalt  }
0x7b: {  	_ =	shalt  }
0x7c: {  	_ =	shalt  }
0x7d: {  	_ =	shalt  }
0x7e: {  	_ =	shalt  }
0x7f: {  	_ =	shalt  }
0x80: {  	_ =	shalt  }
0x81: {  	_ =	shalt  }
0x82: {  	_ =	shalt  }
0x83: {  	_ =	shalt  }
0x84: {  	_ =	shalt  }
0x85: {  	_ =	shalt  }
0x86: {  	_ =	shalt  }
0x87: {  	_ =	shalt  }
.Lfunc_end0:
.L_simem_size_0:
called_computation_lowered:
.L_overlay_start_0:
0x88: {  	s2 =	sld [smem:$0x3FD9]  }
0x89: {  	s3 =	sld [smem:$0x3FFE];
	_ =	sdelay $0x1  }
0x8a: {  	s1 =	srdreg.scid  }
0x8b: {  	s0 =	sand.u32 $0x1, s1  }
0x8c: {  	s15 =	sshll.u32 s0, $0xA;
	s2 =	sadd.s32 s3, s2  }
0x8d: {  	s2 =	sadd.s32 s2, s15  }
0x8e: {  	[smem:$0x3FC6] =	sst s2  }
0x8f: {  	_ = 	snop  }
0x90: {  	s2 =	sld [smem:$0x3FD0];
	_ =	sdelay $0x1  }
0x91: {  	s16 =	sld [smem:$0x3FC9]  }
0x92: {  	s5 =	simm.s32 $0xA;
	s6 =	simm.s32 $0x10;
	s4 =	sld [smem:$0x3FC8]  }
0x93: {  	[smem:s6], [sflag:s5] =	dma.local [hbm:s2], $0x1  }
0x94: {  	_ =	swait.eq [sflag:s5], $0x1  }
0x95: {  	[sflag:s5] =	ssyncset.done $0x0  }
0x96: {  	s17 =	sld [smem:$0x10];
	[sflag:s5] =	ssyncadd.s32 $0xFFFFFFFF  }
0x97: {  	s18 =	sld [smem:$0x11];
	(tm) =	ssettm $0x1  }
0x98: {  	s19 =	sld [smem:$0x3FFB];
	_ =	sdelay $0x3  }
0x99: {  	_ =	strace s19  }
0x9a: {  	s6 =	sld [smem:$0x3FFC];
	_ =	sdelay $0x3  }
0x9b: {  	_ =	strace s6  }
0x9c: {  	s6 =	sld [smem:$0x3FFD];
	_ =	sdelay $0x3  }
0x9d: {  	_ =	strace s6  }
0x9e: {  	_ =	strace $0x8FFFFFFF  }
0x9f: {  	s20 =	sld [smem:$0x3FDB];
	_ =	sdelay $0x1  }
0xa0: {  	s7 =	simm.s32 $_scs_section_size  }
0xa1: {  	s8 =	simm.s32 $_size__tile_overlayer_lowered;
	s9 =	simm.s32 $_tile_overlayer_lowered  }
0xa2: {  	s23 =	simm.s32 $0x1BFF;
	s22 =	sshll.u32 s9, $0x1;
	s6 =	sadd.s32 s7, s20  }
0xa3: {  	s10 =	simm.s32 $0x0;
	s21 =	sshll.u32 s8, $0x1;
	s8 =	sadd.s32 s22, s6  }
0xa4: {  	[timem:s10], [sflag:s23] =	dma.local [hbm:s8], s21  }
0xa5: {  	_ =	swait.ge [sflag:s23], s21  }
0xa6: {  	s7 =	ssub.s32 $0x0, s21;
	[sflag:s23] =	ssyncset.done $0x0  }
0xa7: {  	[sflag:s23] =	ssyncadd.s32 s7;
	_ =	sdelay $0x1  }
0xa8: {  	s24 =	simm.s32 $0x1B8B  }
0xa9: {  	_ =	swait.ge [sflag:s24], $0x1  }
0xaa: {  	[sflag:s24] =	ssyncset.done $0x0  }
0xab: {  	s25 =	simm.s32 $0x1B8E;
	[sflag:s24] =	ssyncadd.s32 $0xFFFFFFFF  }
0xac: {  	s26 =	simm.s32 $execute0_lowered;
	[smem:$0x3FD2] =	sst s25  }
0xad: {  	s7 =	sshll.u32 s26, $0x1;
	_ =	strace $0x80000046;
	[dreg:$0x1] =	wrdreg $0xFFFFFFFF  }
0xae: {  	s28 =	simm.s32 $_size_execute0_lowered;
	s6 =	sadd.s32 s6, s7;
	[dreg:$0x0] =	wrdreg $0x0  }
0xaf: {  	s7 =	sshll.u32 s28, $0x1;
	[dreg:$0x2] =	wrdreg s6  }
0xb0: {  	[dreg:$0x3] =	wrdreg s7  }
0xb1: {  	[dreg:$0x4] =	wrdreg $0xC0  }
0xb2: {  	_ =	task [dreg:s10], $0x5FFFF  }
0xb3: {  	[dreg:$0x1] =	wrdreg $0xFFFFFFFF  }
0xb4: {  	[dreg:$0x0] =	wrdreg $0x60  }
0xb5: {  	[dreg:$0x2] =	wrdreg s16  }
0xb6: {  	[dreg:$0x3] =	wrdreg s4  }
0xb7: {  	[dreg:$0x4] =	wrdreg s17  }
0xb8: {  	[dreg:$0x5] =	wrdreg s18  }
0xb9: {  	[dreg:$0x6] =	wrdreg $0x9  }
0xba: {  	_ =	task.clear_ibuf [dreg:s10], $0x7FFFF;
	_ =	strace $0x90000046  }
0xbb: {  	s29 =	simm.s32 $0x9;
	_ =	strace $0x80000048  }
0xbc: {  	_ =	swait.ge [sflag:s29], $0x1  }
0xbd: {  	[sflag:s29] =	ssyncadd.s32 $0xFFFFFFFF  }
0xbe: {  	_ =	strace $0x90000048  }
0xbf: {  	_ =	sfence  }
0xc0: {  	s30 =	sld [smem:$0x0];
	_ =	sdelay $0x2  }
0xc1: {  	s31 =	sshll.u32 s1, $0xD;
	s1 =	sshrl.u32 s1, $0x2  }
0xc2: {  	s3 =	sand.u32 $0x4000, s31;
	s1 =	sadd.s32 s1, s30  }
0xc3: {  	s0 =	sor.u32 s3, s0;
	s1 =	sshll.u32 s1, $0x11  }
0xc4: {  	s0 =	sor.u32 s1, s0  }
0xc5: {  	s0 =	sadd.s32 $0x8F2B, s0  }
0xc6: {  	[sflag:s0] =	ssyncadd.remote.s32 $0x1  }
0xc7: {  	_ =	sfence.sel $0xFFFF  }
0xc8: {  	[dreg:$0x0] =	wrdreg $0xFFFFFFFF;
	(pc) =	sbr.abs _section_cstart, $3  }
0xc9: {  	[dreg:$0x1] =	wrdreg $0xFFFFFFFF  }
0xca: {  	_ =	task.clear_ibuf [dreg:s10], $0x2FFFF;
	_ =	strace $0x9FFFFFFF  }
0xcb: {  	(tm) =	ssettm $0x7FFFFFFF  }
tec
execute0_lowered:
.L_overlay_start_1:
0x0: {  	(tag) =	ssettag $0x1  }
0x1: {  	s1 =	rddreg [dreg:$0x0]  }
0x2: {  	s0 =	srdreg.scid;
	s8 =	rddreg [dreg:$0x2]  }
0x3: {  	s3 =	stileid.u32;
	s2 =	rddreg [dreg:$0x3]  }
0x4: {  	s5 =	simm.s32 $0x0;
	s28 =	simm.s32 $0x1200;
	s29 =	simm.s32 $0x3200  }
0x5: {  	s30 =	simm.s32 $0x5200;
	s31 =	simm.s32 $0x7200;
	s0 =	sand.u32 $0x1, s0  }
0x6: {  	s11 =	simm.s32 $0xD200;
	s3 =	sshll.u32 s3, $0xA;
	s4 =	sshll.u32 s0, $0x9  }
0x7: {  	s12 =	simm.s32 $0x4;
	s13 =	simm.s32 $0xF200;
	s3 =	sor.u32 s4, s3  }
0x8: {  	[smem:$0x7FF] =	sst s5;
	s0 =	ssub.s32 $0x2, s0;
	s9 =	sshrl.u32 s3, $0x3  }
0x9: {  	_ =	strace $0x80000047;
	s6 =	sshll.u32 s3, $0x9;
	s2 =	sadd.s32 s2, s9  }
0xa: {  	s14 =	sshrl.u32 s0, $0x1;
	s20 =	sadd.s32 s8, s6;
	[dreg:$0x9] =	wrdreg s2  }
0xb: {  	s0 =	ssub.s32 s0, s14;
	s10 =	sadd.s32 s1, s6;
	[dreg:$0xa] =	wrdreg s20  }
0xc: {  	s15 =	sor.u32 $0x20, s6;
	s0 =	smax.u32 s0, $0x1;
	[dreg:$0x5] =	wrdreg s10  }
0xd: {  	s17 =	sor.u32 $0x40, s6;
	s16 =	sadd.s32 s1, s15;
	[dreg:$0x11] =	wrdreg s0  }
0xe: {  	s7 =	sor.u32 $0x60, s6;
	s18 =	sadd.s32 s1, s17;
	[dreg:$0x6] =	wrdreg s16  }
0xf: {  	s5 =	simm.s32 $0x2;
	s19 =	sadd.s32 s1, s7;
	[dreg:$0x7] =	wrdreg s18  }
0x10: {  	s14 =	simm.s32 $0x5;
	s21 =	sadd.s32 $0x1000, s10;
	[dreg:$0x8] =	wrdreg s19  }
0x11: {  	s3 =	simm.s32 $0x0;
	s22 =	sadd.s32 s8, s15;
	[dreg:$0xb] =	wrdreg s21  }
0x12: {  	s23 =	sadd.s32 $0x1020, s10;
	s24 =	sadd.s32 s8, s17;
	[dreg:$0xc] =	wrdreg s22  }
0x13: {  	s25 =	sadd.s32 $0x1040, s10;
	s26 =	sadd.s32 s8, s7;
	[dreg:$0xd] =	wrdreg s23  }
0x14: {  	s20 =	sadd.s32 $0x1060, s10;
	s2 =	simm.s32 $0x1;
	[dreg:$0xe] =	wrdreg s24  }
0x15: {  	s10 =	simm.s32 $0x3;
	s15 =	simm.s32 $0x6;
	[dreg:$0xf] =	wrdreg s25  }
0x16: {  	s17 =	simm.s32 $0x8;
	[dreg:$0x10] =	wrdreg s26;
	s21 =	sadd.s32 $0x20, s8  }
0x17: {  	s22 =	sadd.s32 $0x40, s8;
	s23 =	sadd.s32 $0x60, s8;
	s25 =	simm.s32 $0x100  }
0x18: {  	v0 =	vimm.f32 $0.0e+00;
	s26 =	simm.s32 $0x400;
	s8 =	simm.s32 $0xB200;
	s16 =	simm.s32 $0x7  }
.LBB2_1:
0x19: {  	[dreg:$0x12] =	wrdreg s3  }
0x1a: {  	s0 =	rddreg [dreg:$0x5]  }
0x1b: {  	[tilespmem:s28], [sflag:$0x1] =	stream.strided.gather [hbm4b:s0+s25], $0x2000, s26, s25, $0x38;
	[tilespmem:$0x11200] =	vst v63  }
0x1c: {  	s24 =	rddreg [dreg:$0x6]  }
0x1d: {  	[tilespmem:s29], [sflag:$0x2] =	stream.strided.gather [hbm4b:s24+s25], $0x2000, s26, s25, $0x38;
	[tilespmem:$0x11200] =	vst v63  }
0x1e: {  	s3 =	rddreg [dreg:$0x7]  }
0x1f: {  	[tilespmem:s30], [sflag:$0x3] =	stream.strided.gather [hbm4b:s3+s25], $0x2000, s26, s25, $0x38;
	[tilespmem:$0x11200] =	vst v63  }
0x20: {  	s4 =	rddreg [dreg:$0x8]  }
0x21: {  	[tilespmem:s31], [sflag:$0x4] =	stream.strided.gather [hbm4b:s4+s25], $0x2000, s26, s25, $0x38;
	[tilespmem:$0x11200] =	vst v63  }
0x22: {  	s7 =	rddreg [dreg:$0x1];
	s18 =	simm.s32 $0x0;
	s4 =	simm.s32 $0x9  }
0x23: {  	[tilespmem:s18], [sflag:$0x9] =	stream.linear.gather [hbm4b:s7+s18], $0x1000, $0x38;
	[tilespmem:$0x11200] =	vst v63  }
0x24: {  	_ =	swait.ge [sflag:s4], $0x1000  }
0x25: {  	[sflag:s4] =	ssyncset.done $0x0  }
0x26: {  	[sflag:s4] =	ssyncadd.s32 $0xFFFFF000  }
0x27: {  	[tilespmem:$0x1000] =	vst v0  }
0x28: {  	[tilespmem:$0x1010] =	vst v0  }
0x29: {  	[tilespmem:$0x1020] =	vst v0  }
0x2a: {  	[tilespmem:$0x1030] =	vst v0  }
0x2b: {  	[tilespmem:$0x1040] =	vst v0  }
0x2c: {  	[tilespmem:$0x1050] =	vst v0  }
0x2d: {  	[tilespmem:$0x1060] =	vst v0  }
0x2e: {  	[tilespmem:$0x1070] =	vst v0  }
0x2f: {  	[tilespmem:$0x1080] =	vst v0  }
0x30: {  	[tilespmem:$0x1090] =	vst v0  }
0x31: {  	[tilespmem:$0x10A0] =	vst v0  }
0x32: {  	[tilespmem:$0x10B0] =	vst v0  }
0x33: {  	[tilespmem:$0x10C0] =	vst v0  }
0x34: {  	[tilespmem:$0x10D0] =	vst v0  }
0x35: {  	[tilespmem:$0x10E0] =	vst v0  }
0x36: {  	[tilespmem:$0x10F0] =	vst v0  }
0x37: {  	[tilespmem:$0x1100] =	vst v0  }
0x38: {  	[tilespmem:$0x1110] =	vst v0  }
0x39: {  	[tilespmem:$0x1120] =	vst v0  }
0x3a: {  	[tilespmem:$0x1130] =	vst v0  }
0x3b: {  	[tilespmem:$0x1140] =	vst v0  }
0x3c: {  	[tilespmem:$0x1150] =	vst v0  }
0x3d: {  	[tilespmem:$0x1160] =	vst v0  }
0x3e: {  	[tilespmem:$0x1170] =	vst v0  }
0x3f: {  	[tilespmem:$0x1180] =	vst v0  }
0x40: {  	[tilespmem:$0x1190] =	vst v0  }
0x41: {  	[tilespmem:$0x11A0] =	vst v0  }
0x42: {  	[tilespmem:$0x11B0] =	vst v0  }
0x43: {  	[tilespmem:$0x11C0] =	vst v0  }
0x44: {  	[tilespmem:$0x11D0] =	vst v0  }
0x45: {  	[tilespmem:$0x11E0] =	vst v0  }
0x46: {  	s7 =	simm.s32 $0x1000;
	s19 =	rddreg [dreg:$0x9];
	[tilespmem:$0x11F0] =	vst v0  }
0x47: {  	[hbm4b:s19+s18] =	stream.linear.scatter [tilespmem:s7], [sflag:$0x9], $0x200, $0x38;
	[tilespmem:$0x11200] =	vst v63  }
0x48: {  	_ =	swait.ge [sflag:s4], $0x200  }
0x49: {  	[sflag:s4] =	ssyncset.done $0x0  }
0x4a: {  	[sflag:s4] =	ssyncadd.s32 $0xFFFFFE00  }
0x4b: {  	_ =	swait.ge [sflag:s2], $0x2000  }
0x4c: {  	[sflag:s2] =	ssyncset.done $0x0  }
0x4d: {  	s24 =	simm.s32 $0x40;
	[sflag:s2] =	ssyncadd.s32 $0xFFFFE000  }
0x4e: {  	v1 =	vld [tilespmem:s24+$0xFFFFFFC0]  }
0x4f: {  	v2 =	vld [tilespmem:s24+$0x30];
	_ =	sdelay $0x3  }
0x50: {  	v5 =	vld [tilespmem:s24+$0x20];
	v3 =	vshll.u32 v1, $0x1  }
0x51: {  	v6 =	vld [tilespmem:s24+$0xFFFFFFE0];
	v4 =	vshll.u32 v2, $0x1;
	v1 =	vand.u32 $0x7F, v1;
	v3 =	vand.u32 $0xFFFFFF00, v3  }
0x52: {  	v2 =	vand.u32 $0x7F, v2;
	v4 =	vand.u32 $0xFFFFFF00, v4;
	v1 =	vor.u32 v1, v3  }
0x53: {  	v7 =	vld [tilespmem:s24+$0x0];
	v2 =	vor.u32 v2, v4  }
0x54: {  	v4 =	vld [tilespmem:s24+$0x10]  }
0x55: {  	v8 =	vshll.u32 v5, $0x1;
	v3 =	vld [tilespmem:s24+$0xFFFFFFF0]  }
0x56: {  	v9 =	vld [tilespmem:s24+$0xFFFFFFD0];
	v5 =	vand.u32 $0x7F, v5;
	v15 =	vshll.u32 v6, $0x1;
	v8 =	vand.u32 $0xFFFFFF00, v8  }
0x57: {  	v6 =	vand.u32 $0x7F, v6;
	v15 =	vand.u32 $0xFFFFFF00, v15;
	v5 =	vor.u32 v5, v8;
	v10 =	vld.idx.msk [tilespmem:v1+s28+$0x0], $0xffff  }
0x58: {  	s3 =	simm.s32 $0xC0;
	v6 =	vor.u32 v6, v15;
	v11 =	vor.u32 $0x80, v1;
	v8 =	vld.idx.msk [tilespmem:v2+s28+$0x0], $0xffff  }
0x59: {  	v16 =	vld [tilespmem:s3+$0x30];
	v13 =	vor.u32 $0x80, v2;
	v12 =	vshll.u32 v4, $0x1;
	v4 =	vand.u32 $0x7F, v4  }
0x5a: {  	v17 =	vld [tilespmem:s3+$0xFFFFFFC0];
	v14 =	vand.u32 $0x7F, v3;
	v3 =	vshll.u32 v3, $0x1;
	v12 =	vand.u32 $0xFFFFFF00, v12  }
0x5b: {  	s7 =	simm.s32 $0x9280;
	v19 =	vld [tilespmem:s3+$0x20];
	v3 =	vand.u32 $0xFFFFFF00, v3;
	v4 =	vor.u32 v4, v12;
	v12 =	vshll.u32 v7, $0x1  }
0x5c: {  	v7 =	vand.u32 $0x7F, v7;
	v14 =	vor.u32 v14, v3;
	v3 =	vand.u32 $0xFFFFFF00, v12;
	[tilespmem:s7+$0xFFFFFF80] =	vst v10;
	v10 =	vld.idx.msk [tilespmem:v5+s28+$0x0], $0xffff  }
0x5d: {  	v7 =	vor.u32 v7, v3;
	[tilespmem:s7+$0xFFFFFFF0] =	vst v8;
	v8 =	vshll.u32 v9, $0x1;
	v11 =	vld.idx.msk [tilespmem:v11+s28+$0x0], $0xffff  }
0x5e: {  	v5 =	vor.u32 $0x80, v5;
	v9 =	vand.u32 $0x7F, v9;
	v12 =	vld.idx.msk [tilespmem:v13+s28+$0x0], $0xffff;
	v8 =	vand.u32 $0xFFFFFF00, v8  }
0x5f: {  	v13 =	vld.idx.msk [tilespmem:v6+s28+$0x0], $0xffff;
	v8 =	vor.u32 v9, v8  }
0x60: {  	v9 =	vld.idx.msk [tilespmem:v4+s28+$0x0], $0xffff  }
0x61: {  	v15 =	vld.idx.msk [tilespmem:v14+s28+$0x0], $0xffff;
	v4 =	vor.u32 $0x80, v4  }
0x62: {  	v6 =	vor.u32 $0x80, v6;
	v18 =	vld.idx.msk [tilespmem:v7+s28+$0x0], $0xffff;
	[tilespmem:s7+$0xFFFFFFE0] =	vst v10  }
0x63: {  	v10 =	vor.u32 $0x80, v14;
	v14 =	vld.idx.msk [tilespmem:v5+s28+$0x0], $0xffff  }
0x64: {  	v7 =	vor.u32 $0x80, v7;
	[tilespmem:s7+$0x0] =	vst v11;
	v5 =	vld.idx.msk [tilespmem:v8+s28+$0x0], $0xffff  }
0x65: {  	v1 =	vld [tilespmem:s3+$0xFFFFFFE0];
	[tilespmem:s7+$0xFFFFFFD0] =	vst v9  }
0x66: {  	[tilespmem:s7+$0xFFFFFFA0] =	vst v13;
	v20 =	vld.idx.msk [tilespmem:v4+s28+$0x0], $0xffff  }
0x67: {  	[tilespmem:s7+$0x70] =	vst v12;
	v11 =	vshll.u32 v17, $0x1;
	v4 =	vld.idx.msk [tilespmem:v6+s28+$0x0], $0xffff;
	v6 =	vshll.u32 v16, $0x1  }
0x68: {  	v3 =	vld [tilespmem:s3+$0x10];
	v12 =	vand.u32 $0x7F, v16;
	v8 =	vor.u32 $0x80, v8;
	[tilespmem:s7+$0xFFFFFFC0] =	vst v18;
	v6 =	vand.u32 $0xFFFFFF00, v6  }
0x69: {  	v11 =	vand.u32 $0xFFFFFF00, v11;
	[tilespmem:s7+$0xFFFFFF90] =	vst v5;
	v5 =	vld.idx.msk [tilespmem:v7+s28+$0x0], $0xffff;
	v7 =	vor.u32 v12, v6;
	v12 =	vand.u32 $0x7F, v17  }
0x6a: {  	[tilespmem:s7+$0xFFFFFFB0] =	vst v15;
	v9 =	vld [tilespmem:s3+$0x0];
	v11 =	vor.u32 v12, v11  }
0x6b: {  	v10 =	vld.idx.msk [tilespmem:v10+s28+$0x0], $0xffff  }
0x6c: {  	v2 =	vld [tilespmem:s3+$0xFFFFFFF0]  }
0x6d: {  	v13 =	vshll.u32 v19, $0x1;
	[tilespmem:s7+$0x60] =	vst v14;
	v6 =	vld.idx.msk [tilespmem:v8+s28+$0x0], $0xffff  }
0x6e: {  	s18 =	simm.s32 $0x9280;
	s4 =	simm.s32 $0x8;
	v12 =	vand.u32 $0xFFFFFF00, v13;
	v8 =	vld [tilespmem:s3+$0xFFFFFFD0];
	v13 =	vand.u32 $0x7F, v19;
	[tilespmem:s7+$0x50] =	vst v20  }
.LBB2_2:
0x6f: {  	s4 =	sadd.s32 $0x8, s4;
	v14 =	vld.idx.msk [tilespmem:v11+s28+$0x0], $0xffff;
	v11 =	vor.u32 $0x80, v11;
	v15 =	vshll.u32 v3, $0x1;
	v16 =	vor.u32 $0x80, v7;
	s7 =	sadd.s32 $0x100, s7  }
0x70: {  	v3 =	vand.u32 $0x7F, v3;
	v12 =	vor.u32 v13, v12;
	s3 =	sadd.s32 $0x80, s3;
	p0 =	slt.u32 s4, $0xF8;
	v17 =	vand.u32 $0x7F, v9;
	v7 =	vld.idx.msk [tilespmem:v7+s28+$0x0], $0xffff;
	[tilespmem:s18+$0x30] =	vst v10  }
0x71: {  	v13 =	vand.u32 $0x7F, v2;
	v18 =	vshll.u32 v2, $0x1;
	v19 =	vor.u32 $0x80, v12;
	v10 =	vld [tilespmem:s3+$0xFFFFFFE0];
	[tilespmem:s18+$0x20] =	vst v4  }
0x72: {  	v18 =	vand.u32 $0xFFFFFF00, v18;
	v9 =	vshll.u32 v9, $0x1;
	v4 =	vshll.u32 v1, $0x1;
	v2 =	vld [tilespmem:s3+$0xFFFFFFF0];
	[tilespmem:s18+$0x40] =	vst v5  }
0x73: {  	v15 =	vand.u32 $0xFFFFFF00, v15;
	v4 =	vand.u32 $0xFFFFFF00, v4;
	v5 =	vld [tilespmem:s3+$0x30];
	v20 =	vand.u32 $0x7F, v8;
	[tilespmem:s18+$0x10] =	vst v6;
	s18 =	smov.u32 s7  }
0x74: {  	v21 =	vand.u32 $0x7F, v1;
	v13 =	vor.u32 v13, v18;
	v15 =	vor.u32 v3, v15;
	v6 =	vld [tilespmem:s3+$0xFFFFFFC0]  }
0x75: {  	v3 =	vshll.u32 v8, $0x1;
	v4 =	vor.u32 v21, v4;
	[tilespmem:s7+$0xFFFFFF80] =	vst v14;
	v14 =	vand.u32 $0xFFFFFF00, v9;
	v8 =	vld.idx.msk [tilespmem:v12+s28+$0x0], $0xffff  }
0x76: {  	v3 =	vand.u32 $0xFFFFFF00, v3;
	v9 =	vld.idx.msk [tilespmem:v11+s28+$0x0], $0xffff;
	v11 =	vor.u32 v17, v14;
	[tilespmem:s7+$0xFFFFFFF0] =	vst v7;
	v1 =	vmov v10  }
0x77: {  	v10 =	vor.u32 v20, v3;
	v12 =	vld.idx.msk [tilespmem:v16+s28+$0x0], $0xffff  }
0x78: {  	v3 =	vld [tilespmem:s3+$0x10];
	v7 =	vand.u32 $0x7F, v5;
	v5 =	vshll.u32 v5, $0x1  }
0x79: {  	v14 =	vshll.u32 v6, $0x1;
	v5 =	vand.u32 $0xFFFFFF00, v5;
	v16 =	vld.idx.msk [tilespmem:v15+s28+$0x0], $0xffff  }
0x7a: {  	v14 =	vand.u32 $0xFFFFFF00, v14;
	v7 =	vor.u32 v7, v5;
	v5 =	vld.idx.msk [tilespmem:v4+s28+$0x0], $0xffff  }
0x7b: {  	v15 =	vor.u32 $0x80, v15;
	v17 =	vld.idx.msk [tilespmem:v13+s28+$0x0], $0xffff;
	[tilespmem:s7+$0xFFFFFFE0] =	vst v8  }
0x7c: {  	v4 =	vor.u32 $0x80, v4;
	[tilespmem:s7+$0x0] =	vst v9;
	v8 =	vld.idx.msk [tilespmem:v11+s28+$0x0], $0xffff  }
0x7d: {  	v9 =	vor.u32 $0x80, v13;
	v13 =	vld.idx.msk [tilespmem:v19+s28+$0x0], $0xffff;
	[tilespmem:s7+$0x70] =	vst v12  }
0x7e: {  	v12 =	vld.idx.msk [tilespmem:v10+s28+$0x0], $0xffff  }
0x7f: {  	v20 =	vor.u32 $0x80, v11;
	v19 =	vor.u32 $0x80, v10;
	v18 =	vld [tilespmem:s3+$0x20];
	[tilespmem:s7+$0xFFFFFFD0] =	vst v16  }
0x80: {  	[tilespmem:s7+$0xFFFFFFA0] =	vst v5;
	v15 =	vld.idx.msk [tilespmem:v15+s28+$0x0], $0xffff  }
0x81: {  	v5 =	vand.u32 $0x7F, v6;
	v4 =	vld.idx.msk [tilespmem:v4+s28+$0x0], $0xffff;
	[tilespmem:s7+$0xFFFFFFB0] =	vst v17  }
.Ltmp0:
0x82: {  	v11 =	vor.u32 v5, v14;
	v10 =	vld.idx.msk [tilespmem:v9+s28+$0x0], $0xffff;
	[tilespmem:s7+$0xFFFFFFC0] =	vst v8;
	(pc) =	sbr.rel @p0 .LBB2_2-.Ltmp0, $4  }
0x83: {  	v9 =	vld [tilespmem:s3+$0x0];
	[tilespmem:s7+$0x60] =	vst v13  }
0x84: {  	v6 =	vshll.u32 v18, $0x1;
	[tilespmem:s7+$0xFFFFFF90] =	vst v12;
	v5 =	vld.idx.msk [tilespmem:v20+s28+$0x0], $0xffff  }
0x85: {  	v12 =	vand.u32 $0xFFFFFF00, v6;
	v6 =	vld.idx.msk [tilespmem:v19+s28+$0x0], $0xffff  }
0x86: {  	v13 =	vand.u32 $0x7F, v18;
	v8 =	vld [tilespmem:s3+$0xFFFFFFD0];
	[tilespmem:s7+$0x50] =	vst v15  }
0x87: {  	_ =	sdelay $0x2  }
0x88: {  	v14 =	vor.u32 $0x80, v11  }
0x89: {  	v11 =	vld.idx.msk [tilespmem:v11+s28+$0x0], $0xffff;
	v15 =	vshll.u32 v3, $0x1;
	v16 =	vor.u32 $0x80, v7;
	v12 =	vor.u32 v13, v12  }
0x8a: {  	v3 =	vand.u32 $0x7F, v3;
	v7 =	vld.idx.msk [tilespmem:v7+s28+$0x0], $0xffff;
	v17 =	vand.u32 $0x7F, v2;
	v2 =	vshll.u32 v2, $0x1  }
0x8b: {  	v18 =	vshll.u32 v1, $0x1;
	v1 =	vand.u32 $0x7F, v1;
	v15 =	vand.u32 $0xFFFFFF00, v15  }
0x8c: {  	v13 =	vand.u32 $0x7F, v9;
	v2 =	vand.u32 $0xFFFFFF00, v2;
	v3 =	vor.u32 v3, v15  }
0x8d: {  	s0 =	sadd.s32 $0x100, s7;
	[tilespmem:s18+$0x30] =	vst v10;
	v9 =	vshll.u32 v9, $0x1;
	v10 =	vand.u32 $0xFFFFFF00, v18;
	v2 =	vor.u32 v17, v2  }
0x8e: {  	v1 =	vor.u32 v1, v10;
	v9 =	vand.u32 $0xFFFFFF00, v9;
	[tilespmem:s0+$0xFFFFFF80] =	vst v11;
	v11 =	vshll.u32 v8, $0x1;
	v10 =	vld.idx.msk [tilespmem:v12+s28+$0x0], $0xffff  }
0x8f: {  	v9 =	vor.u32 v13, v9;
	v8 =	vand.u32 $0x7F, v8;
	[tilespmem:s0+$0xFFFFFFF0] =	vst v7;
	v14 =	vld.idx.msk [tilespmem:v14+s28+$0x0], $0xffff;
	v11 =	vand.u32 $0xFFFFFF00, v11  }
0x90: {  	[tilespmem:s18+$0x20] =	vst v4;
	v7 =	vld.idx.msk [tilespmem:v16+s28+$0x0], $0xffff;
	v4 =	vor.u32 v8, v11  }
0x91: {  	[tilespmem:s18+$0x40] =	vst v5;
	v8 =	vor.u32 $0x80, v12;
	v5 =	vld.idx.msk [tilespmem:v3+s28+$0x0], $0xffff  }
0x92: {  	[tilespmem:s18+$0x10] =	vst v6;
	v6 =	vld.idx.msk [tilespmem:v2+s28+$0x0], $0xffff;
	v3 =	vor.u32 $0x80, v3  }
0x93: {  	v11 =	vld.idx.msk [tilespmem:v1+s28+$0x0], $0xffff;
	v2 =	vor.u32 $0x80, v2;
	[tilespmem:s0+$0xFFFFFFE0] =	vst v10  }
0x94: {  	v1 =	vor.u32 $0x80, v1;
	v10 =	vld.idx.msk [tilespmem:v9+s28+$0x0], $0xffff;
	[tilespmem:s0+$0x0] =	vst v14  }
0x95: {  	v9 =	vor.u32 $0x80, v9;
	[tilespmem:s0+$0x70] =	vst v7;
	v7 =	vld.idx.msk [tilespmem:v4+s28+$0x0], $0xffff  }
0x96: {  	v8 =	vld.idx.msk [tilespmem:v8+s28+$0x0], $0xffff;
	v4 =	vor.u32 $0x80, v4;
	[tilespmem:s0+$0xFFFFFFD0] =	vst v5  }
0x97: {  	[tilespmem:s0+$0xFFFFFFB0] =	vst v6;
	v3 =	vld.idx.msk [tilespmem:v3+s28+$0x0], $0xffff  }
0x98: {  	[tilespmem:s0+$0xFFFFFFA0] =	vst v11;
	v2 =	vld.idx.msk [tilespmem:v2+s28+$0x0], $0xffff  }
0x99: {  	v1 =	vld.idx.msk [tilespmem:v1+s28+$0x0], $0xffff;
	[tilespmem:s0+$0xFFFFFFC0] =	vst v10  }
0x9a: {  	v5 =	vld.idx.msk [tilespmem:v9+s28+$0x0], $0xffff;
	[tilespmem:s0+$0xFFFFFF90] =	vst v7  }
0x9b: {  	[tilespmem:s0+$0x60] =	vst v8;
	v4 =	vld.idx.msk [tilespmem:v4+s28+$0x0], $0xffff  }
0x9c: {  	[tilespmem:s0+$0x50] =	vst v3  }
0x9d: {  	[tilespmem:s0+$0x30] =	vst v2  }
0x9e: {  	[tilespmem:s0+$0x20] =	vst v1  }
0x9f: {  	[tilespmem:s0+$0x40] =	vst v5  }
0xa0: {  	[tilespmem:s0+$0x10] =	vst v4  }
0xa1: {  	s3 =	simm.s32 $0x9200;
	s0 =	rddreg [dreg:$0xa]  }
0xa2: {  	[hbm4b:s0+s25] =	stream.strided.scatter [tilespmem:s3], [sflag:$0x5], $0x2000, s26, s25, $0x38;
	[tilespmem:$0x11200] =	vst v63  }
0xa3: {  	s19 =	rddreg [dreg:$0xb]  }
0xa4: {  	[tilespmem:s28], [sflag:$0x1] =	stream.strided.gather [hbm4b:s19+s25], $0x2000, s26, s25, $0x38;
	[tilespmem:$0x11200] =	vst v63  }
0xa5: {  	_ =	swait.ge [sflag:s5], $0x2000  }
0xa6: {  	[sflag:s5] =	ssyncset.done $0x0  }
0xa7: {  	s24 =	simm.s32 $0x40;
	[sflag:s5] =	ssyncadd.s32 $0xFFFFE000  }
0xa8: {  	v1 =	vld [tilespmem:s24+$0xFFFFFFC0]  }
0xa9: {  	v2 =	vld [tilespmem:s24+$0x30];
	_ =	sdelay $0x3  }
0xaa: {  	v5 =	vld [tilespmem:s24+$0x20];
	v3 =	vshll.u32 v1, $0x1  }
0xab: {  	v6 =	vld [tilespmem:s24+$0xFFFFFFE0];
	v4 =	vshll.u32 v2, $0x1;
	v1 =	vand.u32 $0x7F, v1;
	v3 =	vand.u32 $0xFFFFFF00, v3  }
0xac: {  	v2 =	vand.u32 $0x7F, v2;
	v4 =	vand.u32 $0xFFFFFF00, v4;
	v1 =	vor.u32 v1, v3  }
0xad: {  	v7 =	vld [tilespmem:s24+$0x0];
	v2 =	vor.u32 v2, v4  }
0xae: {  	v4 =	vld [tilespmem:s24+$0x10]  }
0xaf: {  	v8 =	vshll.u32 v5, $0x1;
	v3 =	vld [tilespmem:s24+$0xFFFFFFF0]  }
0xb0: {  	v9 =	vld [tilespmem:s24+$0xFFFFFFD0];
	v5 =	vand.u32 $0x7F, v5;
	v15 =	vshll.u32 v6, $0x1;
	v8 =	vand.u32 $0xFFFFFF00, v8  }
0xb1: {  	v6 =	vand.u32 $0x7F, v6;
	v15 =	vand.u32 $0xFFFFFF00, v15;
	v5 =	vor.u32 v5, v8;
	v10 =	vld.idx.msk [tilespmem:v1+s29+$0x0], $0xffff  }
0xb2: {  	s3 =	simm.s32 $0xC0;
	v6 =	vor.u32 v6, v15;
	v11 =	vor.u32 $0x80, v1;
	v8 =	vld.idx.msk [tilespmem:v2+s29+$0x0], $0xffff  }
0xb3: {  	v61 =	vld [tilespmem:s3+$0x30];
	v13 =	vor.u32 $0x80, v2;
	v12 =	vshll.u32 v4, $0x1;
	v4 =	vand.u32 $0x7F, v4  }
0xb4: {  	v62 =	vld [tilespmem:s3+$0xFFFFFFC0];
	v14 =	vand.u32 $0x7F, v3;
	v3 =	vshll.u32 v3, $0x1;
	v12 =	vand.u32 $0xFFFFFF00, v12  }
0xb5: {  	s7 =	simm.s32 $0xB280;
	v19 =	vld [tilespmem:s3+$0x20];
	v3 =	vand.u32 $0xFFFFFF00, v3;
	v4 =	vor.u32 v4, v12;
	v12 =	vshll.u32 v7, $0x1  }
0xb6: {  	v7 =	vand.u32 $0x7F, v7;
	v14 =	vor.u32 v14, v3;
	v3 =	vand.u32 $0xFFFFFF00, v12;
	[tilespmem:s7+$0xFFFFFF80] =	vst v10;
	v10 =	vld.idx.msk [tilespmem:v5+s29+$0x0], $0xffff  }
0xb7: {  	v7 =	vor.u32 v7, v3;
	[tilespmem:s7+$0xFFFFFFF0] =	vst v8;
	v8 =	vshll.u32 v9, $0x1;
	v11 =	vld.idx.msk [tilespmem:v11+s29+$0x0], $0xffff  }
0xb8: {  	v5 =	vor.u32 $0x80, v5;
	v9 =	vand.u32 $0x7F, v9;
	v12 =	vld.idx.msk [tilespmem:v13+s29+$0x0], $0xffff;
	v8 =	vand.u32 $0xFFFFFF00, v8  }
0xb9: {  	v13 =	vld.idx.msk [tilespmem:v6+s29+$0x0], $0xffff;
	v8 =	vor.u32 v9, v8  }
0xba: {  	v9 =	vld.idx.msk [tilespmem:v4+s29+$0x0], $0xffff  }
0xbb: {  	v15 =	vld.idx.msk [tilespmem:v14+s29+$0x0], $0xffff;
	v4 =	vor.u32 $0x80, v4  }
0xbc: {  	v6 =	vor.u32 $0x80, v6;
	v63 =	vld.idx.msk [tilespmem:v7+s29+$0x0], $0xffff;
	[tilespmem:s7+$0xFFFFFFE0] =	vst v10  }
0xbd: {  	v10 =	vor.u32 $0x80, v14;
	v14 =	vld.idx.msk [tilespmem:v5+s29+$0x0], $0xffff  }
0xbe: {  	v7 =	vor.u32 $0x80, v7;
	[tilespmem:s7+$0x0] =	vst v11;
	v5 =	vld.idx.msk [tilespmem:v8+s29+$0x0], $0xffff  }
0xbf: {  	v1 =	vld [tilespmem:s3+$0xFFFFFFE0];
	[tilespmem:s7+$0xFFFFFFD0] =	vst v9  }
0xc0: {  	[tilespmem:s7+$0xFFFFFFA0] =	vst v13;
	v20 =	vld.idx.msk [tilespmem:v4+s29+$0x0], $0xffff  }
0xc1: {  	[tilespmem:s7+$0x70] =	vst v12;
	v11 =	vshll.u32 v62, $0x1;
	v4 =	vld.idx.msk [tilespmem:v6+s29+$0x0], $0xffff;
	v6 =	vshll.u32 v61, $0x1  }
0xc2: {  	v3 =	vld [tilespmem:s3+$0x10];
	v12 =	vand.u32 $0x7F, v61;
	v8 =	vor.u32 $0x80, v8;
	[tilespmem:s7+$0xFFFFFFC0] =	vst v63;
	v6 =	vand.u32 $0xFFFFFF00, v6  }
0xc3: {  	v11 =	vand.u32 $0xFFFFFF00, v11;
	[tilespmem:s7+$0xFFFFFF90] =	vst v5;
	v5 =	vld.idx.msk [tilespmem:v7+s29+$0x0], $0xffff;
	v7 =	vor.u32 v12, v6;
	v12 =	vand.u32 $0x7F, v62  }
0xc4: {  	[tilespmem:s7+$0xFFFFFFB0] =	vst v15;
	v9 =	vld [tilespmem:s3+$0x0];
	v11 =	vor.u32 v12, v11  }
0xc5: {  	v10 =	vld.idx.msk [tilespmem:v10+s29+$0x0], $0xffff  }
0xc6: {  	v2 =	vld [tilespmem:s3+$0xFFFFFFF0]  }
0xc7: {  	v13 =	vshll.u32 v19, $0x1;
	[tilespmem:s7+$0x60] =	vst v14;
	v6 =	vld.idx.msk [tilespmem:v8+s29+$0x0], $0xffff  }
0xc8: {  	s4 =	simm.s32 $0x8;
	s18 =	simm.s32 $0xB280;
	v12 =	vand.u32 $0xFFFFFF00, v13;
	v8 =	vld [tilespmem:s3+$0xFFFFFFD0];
	v13 =	vand.u32 $0x7F, v19;
	[tilespmem:s7+$0x50] =	vst v20  }
.LBB2_4:
0xc9: {  	s4 =	sadd.s32 $0x8, s4;
	v14 =	vld.idx.msk [tilespmem:v11+s29+$0x0], $0xffff;
	v11 =	vor.u32 $0x80, v11;
	v15 =	vshll.u32 v3, $0x1;
	v16 =	vor.u32 $0x80, v7;
	s7 =	sadd.s32 $0x100, s7  }
0xca: {  	v3 =	vand.u32 $0x7F, v3;
	v12 =	vor.u32 v13, v12;
	s3 =	sadd.s32 $0x80, s3;
	p0 =	slt.u32 s4, $0xF8;
	v17 =	vand.u32 $0x7F, v9;
	v7 =	vld.idx.msk [tilespmem:v7+s29+$0x0], $0xffff;
	[tilespmem:s18+$0x30] =	vst v10  }
0xcb: {  	v13 =	vand.u32 $0x7F, v2;
	v18 =	vshll.u32 v2, $0x1;
	v19 =	vor.u32 $0x80, v12;
	v10 =	vld [tilespmem:s3+$0xFFFFFFE0];
	[tilespmem:s18+$0x20] =	vst v4  }
0xcc: {  	v18 =	vand.u32 $0xFFFFFF00, v18;
	v9 =	vshll.u32 v9, $0x1;
	v4 =	vshll.u32 v1, $0x1;
	v2 =	vld [tilespmem:s3+$0xFFFFFFF0];
	[tilespmem:s18+$0x40] =	vst v5  }
0xcd: {  	v15 =	vand.u32 $0xFFFFFF00, v15;
	v4 =	vand.u32 $0xFFFFFF00, v4;
	v5 =	vld [tilespmem:s3+$0x30];
	v20 =	vand.u32 $0x7F, v8;
	[tilespmem:s18+$0x10] =	vst v6;
	s18 =	smov.u32 s7  }
0xce: {  	v21 =	vand.u32 $0x7F, v1;
	v13 =	vor.u32 v13, v18;
	v15 =	vor.u32 v3, v15;
	v6 =	vld [tilespmem:s3+$0xFFFFFFC0]  }
0xcf: {  	v3 =	vshll.u32 v8, $0x1;
	v4 =	vor.u32 v21, v4;
	[tilespmem:s7+$0xFFFFFF80] =	vst v14;
	v14 =	vand.u32 $0xFFFFFF00, v9;
	v8 =	vld.idx.msk [tilespmem:v12+s29+$0x0], $0xffff  }
0xd0: {  	v3 =	vand.u32 $0xFFFFFF00, v3;
	v9 =	vld.idx.msk [tilespmem:v11+s29+$0x0], $0xffff;
	v11 =	vor.u32 v17, v14;
	[tilespmem:s7+$0xFFFFFFF0] =	vst v7;
	v1 =	vmov v10  }
0xd1: {  	v10 =	vor.u32 v20, v3;
	v12 =	vld.idx.msk [tilespmem:v16+s29+$0x0], $0xffff  }
0xd2: {  	v3 =	vld [tilespmem:s3+$0x10];
	v7 =	vand.u32 $0x7F, v5;
	v5 =	vshll.u32 v5, $0x1  }
0xd3: {  	v14 =	vshll.u32 v6, $0x1;
	v5 =	vand.u32 $0xFFFFFF00, v5;
	v16 =	vld.idx.msk [tilespmem:v15+s29+$0x0], $0xffff  }
0xd4: {  	v14 =	vand.u32 $0xFFFFFF00, v14;
	v7 =	vor.u32 v7, v5;
	v5 =	vld.idx.msk [tilespmem:v4+s29+$0x0], $0xffff  }
0xd5: {  	v15 =	vor.u32 $0x80, v15;
	v17 =	vld.idx.msk [tilespmem:v13+s29+$0x0], $0xffff;
	[tilespmem:s7+$0xFFFFFFE0] =	vst v8  }
0xd6: {  	v4 =	vor.u32 $0x80, v4;
	[tilespmem:s7+$0x0] =	vst v9;
	v8 =	vld.idx.msk [tilespmem:v11+s29+$0x0], $0xffff  }
0xd7: {  	v9 =	vor.u32 $0x80, v13;
	v13 =	vld.idx.msk [tilespmem:v19+s29+$0x0], $0xffff;
	[tilespmem:s7+$0x70] =	vst v12  }
0xd8: {  	v12 =	vld.idx.msk [tilespmem:v10+s29+$0x0], $0xffff  }
0xd9: {  	v20 =	vor.u32 $0x80, v11;
	v19 =	vor.u32 $0x80, v10;
	v18 =	vld [tilespmem:s3+$0x20];
	[tilespmem:s7+$0xFFFFFFD0] =	vst v16  }
0xda: {  	[tilespmem:s7+$0xFFFFFFA0] =	vst v5;
	v15 =	vld.idx.msk [tilespmem:v15+s29+$0x0], $0xffff  }
0xdb: {  	v5 =	vand.u32 $0x7F, v6;
	v4 =	vld.idx.msk [tilespmem:v4+s29+$0x0], $0xffff;
	[tilespmem:s7+$0xFFFFFFB0] =	vst v17  }
.Ltmp1:
0xdc: {  	v11 =	vor.u32 v5, v14;
	v10 =	vld.idx.msk [tilespmem:v9+s29+$0x0], $0xffff;
	[tilespmem:s7+$0xFFFFFFC0] =	vst v8;
	(pc) =	sbr.rel @p0 .LBB2_4-.Ltmp1, $4  }
0xdd: {  	v9 =	vld [tilespmem:s3+$0x0];
	[tilespmem:s7+$0x60] =	vst v13  }
0xde: {  	v6 =	vshll.u32 v18, $0x1;
	[tilespmem:s7+$0xFFFFFF90] =	vst v12;
	v5 =	vld.idx.msk [tilespmem:v20+s29+$0x0], $0xffff  }
0xdf: {  	v12 =	vand.u32 $0xFFFFFF00, v6;
	v6 =	vld.idx.msk [tilespmem:v19+s29+$0x0], $0xffff  }
0xe0: {  	v13 =	vand.u32 $0x7F, v18;
	v8 =	vld [tilespmem:s3+$0xFFFFFFD0];
	[tilespmem:s7+$0x50] =	vst v15  }
0xe1: {  	_ =	sdelay $0x2  }
0xe2: {  	v14 =	vor.u32 $0x80, v11  }
0xe3: {  	v11 =	vld.idx.msk [tilespmem:v11+s29+$0x0], $0xffff;
	v15 =	vshll.u32 v3, $0x1;
	v16 =	vor.u32 $0x80, v7;
	v12 =	vor.u32 v13, v12  }
0xe4: {  	v3 =	vand.u32 $0x7F, v3;
	v7 =	vld.idx.msk [tilespmem:v7+s29+$0x0], $0xffff;
	v17 =	vand.u32 $0x7F, v2;
	v2 =	vshll.u32 v2, $0x1  }
0xe5: {  	v18 =	vshll.u32 v1, $0x1;
	v1 =	vand.u32 $0x7F, v1;
	v15 =	vand.u32 $0xFFFFFF00, v15  }
0xe6: {  	v13 =	vand.u32 $0x7F, v9;
	v2 =	vand.u32 $0xFFFFFF00, v2;
	v3 =	vor.u32 v3, v15  }
0xe7: {  	s0 =	sadd.s32 $0x100, s7;
	[tilespmem:s18+$0x30] =	vst v10;
	v9 =	vshll.u32 v9, $0x1;
	v10 =	vand.u32 $0xFFFFFF00, v18;
	v2 =	vor.u32 v17, v2  }
0xe8: {  	v1 =	vor.u32 v1, v10;
	v9 =	vand.u32 $0xFFFFFF00, v9;
	[tilespmem:s0+$0xFFFFFF80] =	vst v11;
	v11 =	vshll.u32 v8, $0x1;
	v10 =	vld.idx.msk [tilespmem:v12+s29+$0x0], $0xffff  }
0xe9: {  	v9 =	vor.u32 v13, v9;
	v8 =	vand.u32 $0x7F, v8;
	[tilespmem:s0+$0xFFFFFFF0] =	vst v7;
	v14 =	vld.idx.msk [tilespmem:v14+s29+$0x0], $0xffff;
	v11 =	vand.u32 $0xFFFFFF00, v11  }
0xea: {  	[tilespmem:s18+$0x20] =	vst v4;
	v7 =	vld.idx.msk [tilespmem:v16+s29+$0x0], $0xffff;
	v4 =	vor.u32 v8, v11  }
0xeb: {  	[tilespmem:s18+$0x40] =	vst v5;
	v8 =	vor.u32 $0x80, v12;
	v5 =	vld.idx.msk [tilespmem:v3+s29+$0x0], $0xffff  }
0xec: {  	[tilespmem:s18+$0x10] =	vst v6;
	v6 =	vld.idx.msk [tilespmem:v2+s29+$0x0], $0xffff;
	v3 =	vor.u32 $0x80, v3  }
0xed: {  	v11 =	vld.idx.msk [tilespmem:v1+s29+$0x0], $0xffff;
	v2 =	vor.u32 $0x80, v2;
	[tilespmem:s0+$0xFFFFFFE0] =	vst v10  }
0xee: {  	v1 =	vor.u32 $0x80, v1;
	v10 =	vld.idx.msk [tilespmem:v9+s29+$0x0], $0xffff;
	[tilespmem:s0+$0x0] =	vst v14  }
0xef: {  	v9 =	vor.u32 $0x80, v9;
	[tilespmem:s0+$0x70] =	vst v7;
	v7 =	vld.idx.msk [tilespmem:v4+s29+$0x0], $0xffff  }
0xf0: {  	v8 =	vld.idx.msk [tilespmem:v8+s29+$0x0], $0xffff;
	v4 =	vor.u32 $0x80, v4;
	[tilespmem:s0+$0xFFFFFFD0] =	vst v5  }
0xf1: {  	[tilespmem:s0+$0xFFFFFFB0] =	vst v6;
	v3 =	vld.idx.msk [tilespmem:v3+s29+$0x0], $0xffff  }
0xf2: {  	[tilespmem:s0+$0xFFFFFFA0] =	vst v11;
	v2 =	vld.idx.msk [tilespmem:v2+s29+$0x0], $0xffff  }
0xf3: {  	v1 =	vld.idx.msk [tilespmem:v1+s29+$0x0], $0xffff;
	[tilespmem:s0+$0xFFFFFFC0] =	vst v10  }
0xf4: {  	v5 =	vld.idx.msk [tilespmem:v9+s29+$0x0], $0xffff;
	[tilespmem:s0+$0xFFFFFF90] =	vst v7  }
0xf5: {  	[tilespmem:s0+$0x60] =	vst v8;
	v4 =	vld.idx.msk [tilespmem:v4+s29+$0x0], $0xffff  }
0xf6: {  	[tilespmem:s0+$0x50] =	vst v3  }
0xf7: {  	[tilespmem:s0+$0x30] =	vst v2  }
0xf8: {  	[tilespmem:s0+$0x20] =	vst v1  }
0xf9: {  	[tilespmem:s0+$0x40] =	vst v5  }
0xfa: {  	[tilespmem:s0+$0x10] =	vst v4  }
0xfb: {  	s0 =	rddreg [dreg:$0xc]  }
0xfc: {  	[hbm4b:s0+s25] =	stream.strided.scatter [tilespmem:s8], [sflag:$0x6], $0x2000, s26, s25, $0x38;
	[tilespmem:$0x11200] =	vst v63  }
0xfd: {  	s19 =	rddreg [dreg:$0xd]  }
0xfe: {  	[tilespmem:s29], [sflag:$0x2] =	stream.strided.gather [hbm4b:s19+s25], $0x2000, s26, s25, $0x38;
	[tilespmem:$0x11200] =	vst v63  }
0xff: {  	_ =	swait.ge [sflag:s10], $0x2000  }
0x100: {  	[sflag:s10] =	ssyncset.done $0x0  }
0x101: {  	s24 =	simm.s32 $0x40;
	[sflag:s10] =	ssyncadd.s32 $0xFFFFE000  }
0x102: {  	v1 =	vld [tilespmem:s24+$0xFFFFFFC0]  }
0x103: {  	v2 =	vld [tilespmem:s24+$0x30];
	_ =	sdelay $0x3  }
0x104: {  	v5 =	vld [tilespmem:s24+$0x20];
	v3 =	vshll.u32 v1, $0x1  }
0x105: {  	v6 =	vld [tilespmem:s24+$0xFFFFFFE0];
	v4 =	vshll.u32 v2, $0x1;
	v1 =	vand.u32 $0x7F, v1;
	v3 =	vand.u32 $0xFFFFFF00, v3  }
0x106: {  	v2 =	vand.u32 $0x7F, v2;
	v4 =	vand.u32 $0xFFFFFF00, v4;
	v1 =	vor.u32 v1, v3  }
0x107: {  	v7 =	vld [tilespmem:s24+$0x0];
	v2 =	vor.u32 v2, v4  }
0x108: {  	v4 =	vld [tilespmem:s24+$0x10]  }
0x109: {  	v8 =	vshll.u32 v5, $0x1;
	v3 =	vld [tilespmem:s24+$0xFFFFFFF0]  }
0x10a: {  	v9 =	vld [tilespmem:s24+$0xFFFFFFD0];
	v5 =	vand.u32 $0x7F, v5;
	v15 =	vshll.u32 v6, $0x1;
	v8 =	vand.u32 $0xFFFFFF00, v8  }
0x10b: {  	v6 =	vand.u32 $0x7F, v6;
	v15 =	vand.u32 $0xFFFFFF00, v15;
	v5 =	vor.u32 v5, v8;
	v10 =	vld.idx.msk [tilespmem:v1+s30+$0x0], $0xffff  }
0x10c: {  	s3 =	simm.s32 $0xC0;
	v6 =	vor.u32 v6, v15;
	v11 =	vor.u32 $0x80, v1;
	v8 =	vld.idx.msk [tilespmem:v2+s30+$0x0], $0xffff  }
0x10d: {  	v61 =	vld [tilespmem:s3+$0x30];
	v13 =	vor.u32 $0x80, v2;
	v12 =	vshll.u32 v4, $0x1;
	v4 =	vand.u32 $0x7F, v4  }
0x10e: {  	v62 =	vld [tilespmem:s3+$0xFFFFFFC0];
	v14 =	vand.u32 $0x7F, v3;
	v3 =	vshll.u32 v3, $0x1;
	v12 =	vand.u32 $0xFFFFFF00, v12  }
0x10f: {  	s7 =	simm.s32 $0xD280;
	v19 =	vld [tilespmem:s3+$0x20];
	v3 =	vand.u32 $0xFFFFFF00, v3;
	v4 =	vor.u32 v4, v12;
	v12 =	vshll.u32 v7, $0x1  }
0x110: {  	v7 =	vand.u32 $0x7F, v7;
	v14 =	vor.u32 v14, v3;
	v3 =	vand.u32 $0xFFFFFF00, v12;
	[tilespmem:s7+$0xFFFFFF80] =	vst v10;
	v10 =	vld.idx.msk [tilespmem:v5+s30+$0x0], $0xffff  }
0x111: {  	v7 =	vor.u32 v7, v3;
	[tilespmem:s7+$0xFFFFFFF0] =	vst v8;
	v8 =	vshll.u32 v9, $0x1;
	v11 =	vld.idx.msk [tilespmem:v11+s30+$0x0], $0xffff  }
0x112: {  	v5 =	vor.u32 $0x80, v5;
	v9 =	vand.u32 $0x7F, v9;
	v12 =	vld.idx.msk [tilespmem:v13+s30+$0x0], $0xffff;
	v8 =	vand.u32 $0xFFFFFF00, v8  }
0x113: {  	v13 =	vld.idx.msk [tilespmem:v6+s30+$0x0], $0xffff;
	v8 =	vor.u32 v9, v8  }
0x114: {  	v9 =	vld.idx.msk [tilespmem:v4+s30+$0x0], $0xffff  }
0x115: {  	v15 =	vld.idx.msk [tilespmem:v14+s30+$0x0], $0xffff;
	v4 =	vor.u32 $0x80, v4  }
0x116: {  	v6 =	vor.u32 $0x80, v6;
	v63 =	vld.idx.msk [tilespmem:v7+s30+$0x0], $0xffff;
	[tilespmem:s7+$0xFFFFFFE0] =	vst v10  }
0x117: {  	v10 =	vor.u32 $0x80, v14;
	v14 =	vld.idx.msk [tilespmem:v5+s30+$0x0], $0xffff  }
0x118: {  	v7 =	vor.u32 $0x80, v7;
	[tilespmem:s7+$0x0] =	vst v11;
	v5 =	vld.idx.msk [tilespmem:v8+s30+$0x0], $0xffff  }
0x119: {  	v1 =	vld [tilespmem:s3+$0xFFFFFFE0];
	[tilespmem:s7+$0xFFFFFFD0] =	vst v9  }
0x11a: {  	[tilespmem:s7+$0xFFFFFFA0] =	vst v13;
	v20 =	vld.idx.msk [tilespmem:v4+s30+$0x0], $0xffff  }
0x11b: {  	[tilespmem:s7+$0x70] =	vst v12;
	v11 =	vshll.u32 v62, $0x1;
	v4 =	vld.idx.msk [tilespmem:v6+s30+$0x0], $0xffff;
	v6 =	vshll.u32 v61, $0x1  }
0x11c: {  	v3 =	vld [tilespmem:s3+$0x10];
	v12 =	vand.u32 $0x7F, v61;
	v8 =	vor.u32 $0x80, v8;
	[tilespmem:s7+$0xFFFFFFC0] =	vst v63;
	v6 =	vand.u32 $0xFFFFFF00, v6  }
0x11d: {  	v11 =	vand.u32 $0xFFFFFF00, v11;
	[tilespmem:s7+$0xFFFFFF90] =	vst v5;
	v5 =	vld.idx.msk [tilespmem:v7+s30+$0x0], $0xffff;
	v7 =	vor.u32 v12, v6;
	v12 =	vand.u32 $0x7F, v62  }
0x11e: {  	[tilespmem:s7+$0xFFFFFFB0] =	vst v15;
	v9 =	vld [tilespmem:s3+$0x0];
	v11 =	vor.u32 v12, v11  }
0x11f: {  	v10 =	vld.idx.msk [tilespmem:v10+s30+$0x0], $0xffff  }
0x120: {  	v2 =	vld [tilespmem:s3+$0xFFFFFFF0]  }
0x121: {  	v13 =	vshll.u32 v19, $0x1;
	[tilespmem:s7+$0x60] =	vst v14;
	v6 =	vld.idx.msk [tilespmem:v8+s30+$0x0], $0xffff  }
0x122: {  	s4 =	simm.s32 $0x8;
	s18 =	simm.s32 $0xD280;
	v12 =	vand.u32 $0xFFFFFF00, v13;
	v8 =	vld [tilespmem:s3+$0xFFFFFFD0];
	v13 =	vand.u32 $0x7F, v19;
	[tilespmem:s7+$0x50] =	vst v20  }
.LBB2_6:
0x123: {  	s4 =	sadd.s32 $0x8, s4;
	v14 =	vld.idx.msk [tilespmem:v11+s30+$0x0], $0xffff;
	v11 =	vor.u32 $0x80, v11;
	v15 =	vshll.u32 v3, $0x1;
	v16 =	vor.u32 $0x80, v7;
	s7 =	sadd.s32 $0x100, s7  }
0x124: {  	v3 =	vand.u32 $0x7F, v3;
	v12 =	vor.u32 v13, v12;
	s3 =	sadd.s32 $0x80, s3;
	p0 =	slt.u32 s4, $0xF8;
	v17 =	vand.u32 $0x7F, v9;
	v7 =	vld.idx.msk [tilespmem:v7+s30+$0x0], $0xffff;
	[tilespmem:s18+$0x30] =	vst v10  }
0x125: {  	v13 =	vand.u32 $0x7F, v2;
	v18 =	vshll.u32 v2, $0x1;
	v19 =	vor.u32 $0x80, v12;
	v10 =	vld [tilespmem:s3+$0xFFFFFFE0];
	[tilespmem:s18+$0x20] =	vst v4  }
0x126: {  	v18 =	vand.u32 $0xFFFFFF00, v18;
	v9 =	vshll.u32 v9, $0x1;
	v4 =	vshll.u32 v1, $0x1;
	v2 =	vld [tilespmem:s3+$0xFFFFFFF0];
	[tilespmem:s18+$0x40] =	vst v5  }
0x127: {  	v15 =	vand.u32 $0xFFFFFF00, v15;
	v4 =	vand.u32 $0xFFFFFF00, v4;
	v5 =	vld [tilespmem:s3+$0x30];
	v20 =	vand.u32 $0x7F, v8;
	[tilespmem:s18+$0x10] =	vst v6;
	s18 =	smov.u32 s7  }
0x128: {  	v21 =	vand.u32 $0x7F, v1;
	v13 =	vor.u32 v13, v18;
	v15 =	vor.u32 v3, v15;
	v6 =	vld [tilespmem:s3+$0xFFFFFFC0]  }
0x129: {  	v3 =	vshll.u32 v8, $0x1;
	v4 =	vor.u32 v21, v4;
	[tilespmem:s7+$0xFFFFFF80] =	vst v14;
	v14 =	vand.u32 $0xFFFFFF00, v9;
	v8 =	vld.idx.msk [tilespmem:v12+s30+$0x0], $0xffff  }
0x12a: {  	v3 =	vand.u32 $0xFFFFFF00, v3;
	v9 =	vld.idx.msk [tilespmem:v11+s30+$0x0], $0xffff;
	v11 =	vor.u32 v17, v14;
	[tilespmem:s7+$0xFFFFFFF0] =	vst v7;
	v1 =	vmov v10  }
0x12b: {  	v10 =	vor.u32 v20, v3;
	v12 =	vld.idx.msk [tilespmem:v16+s30+$0x0], $0xffff  }
0x12c: {  	v3 =	vld [tilespmem:s3+$0x10];
	v7 =	vand.u32 $0x7F, v5;
	v5 =	vshll.u32 v5, $0x1  }
0x12d: {  	v14 =	vshll.u32 v6, $0x1;
	v5 =	vand.u32 $0xFFFFFF00, v5;
	v16 =	vld.idx.msk [tilespmem:v15+s30+$0x0], $0xffff  }
0x12e: {  	v14 =	vand.u32 $0xFFFFFF00, v14;
	v7 =	vor.u32 v7, v5;
	v5 =	vld.idx.msk [tilespmem:v4+s30+$0x0], $0xffff  }
0x12f: {  	v15 =	vor.u32 $0x80, v15;
	v17 =	vld.idx.msk [tilespmem:v13+s30+$0x0], $0xffff;
	[tilespmem:s7+$0xFFFFFFE0] =	vst v8  }
0x130: {  	v4 =	vor.u32 $0x80, v4;
	[tilespmem:s7+$0x0] =	vst v9;
	v8 =	vld.idx.msk [tilespmem:v11+s30+$0x0], $0xffff  }
0x131: {  	v9 =	vor.u32 $0x80, v13;
	v13 =	vld.idx.msk [tilespmem:v19+s30+$0x0], $0xffff;
	[tilespmem:s7+$0x70] =	vst v12  }
0x132: {  	v12 =	vld.idx.msk [tilespmem:v10+s30+$0x0], $0xffff  }
0x133: {  	v20 =	vor.u32 $0x80, v11;
	v19 =	vor.u32 $0x80, v10;
	v18 =	vld [tilespmem:s3+$0x20];
	[tilespmem:s7+$0xFFFFFFD0] =	vst v16  }
0x134: {  	[tilespmem:s7+$0xFFFFFFA0] =	vst v5;
	v15 =	vld.idx.msk [tilespmem:v15+s30+$0x0], $0xffff  }
0x135: {  	v5 =	vand.u32 $0x7F, v6;
	v4 =	vld.idx.msk [tilespmem:v4+s30+$0x0], $0xffff;
	[tilespmem:s7+$0xFFFFFFB0] =	vst v17  }
.Ltmp2:
0x136: {  	v11 =	vor.u32 v5, v14;
	v10 =	vld.idx.msk [tilespmem:v9+s30+$0x0], $0xffff;
	[tilespmem:s7+$0xFFFFFFC0] =	vst v8;
	(pc) =	sbr.rel @p0 .LBB2_6-.Ltmp2, $4  }
0x137: {  	v9 =	vld [tilespmem:s3+$0x0];
	[tilespmem:s7+$0x60] =	vst v13  }
0x138: {  	v6 =	vshll.u32 v18, $0x1;
	[tilespmem:s7+$0xFFFFFF90] =	vst v12;
	v5 =	vld.idx.msk [tilespmem:v20+s30+$0x0], $0xffff  }
0x139: {  	v12 =	vand.u32 $0xFFFFFF00, v6;
	v6 =	vld.idx.msk [tilespmem:v19+s30+$0x0], $0xffff  }
0x13a: {  	v13 =	vand.u32 $0x7F, v18;
	v8 =	vld [tilespmem:s3+$0xFFFFFFD0];
	[tilespmem:s7+$0x50] =	vst v15  }
0x13b: {  	_ =	sdelay $0x2  }
0x13c: {  	v14 =	vor.u32 $0x80, v11  }
0x13d: {  	v11 =	vld.idx.msk [tilespmem:v11+s30+$0x0], $0xffff;
	v15 =	vshll.u32 v3, $0x1;
	v16 =	vor.u32 $0x80, v7;
	v12 =	vor.u32 v13, v12  }
0x13e: {  	v3 =	vand.u32 $0x7F, v3;
	v7 =	vld.idx.msk [tilespmem:v7+s30+$0x0], $0xffff;
	v17 =	vand.u32 $0x7F, v2;
	v2 =	vshll.u32 v2, $0x1  }
0x13f: {  	v18 =	vshll.u32 v1, $0x1;
	v1 =	vand.u32 $0x7F, v1;
	v15 =	vand.u32 $0xFFFFFF00, v15  }
0x140: {  	v13 =	vand.u32 $0x7F, v9;
	v2 =	vand.u32 $0xFFFFFF00, v2;
	v3 =	vor.u32 v3, v15  }
0x141: {  	s0 =	sadd.s32 $0x100, s7;
	[tilespmem:s18+$0x30] =	vst v10;
	v9 =	vshll.u32 v9, $0x1;
	v10 =	vand.u32 $0xFFFFFF00, v18;
	v2 =	vor.u32 v17, v2  }
0x142: {  	v1 =	vor.u32 v1, v10;
	v9 =	vand.u32 $0xFFFFFF00, v9;
	[tilespmem:s0+$0xFFFFFF80] =	vst v11;
	v11 =	vshll.u32 v8, $0x1;
	v10 =	vld.idx.msk [tilespmem:v12+s30+$0x0], $0xffff  }
0x143: {  	v9 =	vor.u32 v13, v9;
	v8 =	vand.u32 $0x7F, v8;
	[tilespmem:s0+$0xFFFFFFF0] =	vst v7;
	v14 =	vld.idx.msk [tilespmem:v14+s30+$0x0], $0xffff;
	v11 =	vand.u32 $0xFFFFFF00, v11  }
0x144: {  	[tilespmem:s18+$0x20] =	vst v4;
	v7 =	vld.idx.msk [tilespmem:v16+s30+$0x0], $0xffff;
	v4 =	vor.u32 v8, v11  }
0x145: {  	[tilespmem:s18+$0x40] =	vst v5;
	v8 =	vor.u32 $0x80, v12;
	v5 =	vld.idx.msk [tilespmem:v3+s30+$0x0], $0xffff  }
0x146: {  	[tilespmem:s18+$0x10] =	vst v6;
	v6 =	vld.idx.msk [tilespmem:v2+s30+$0x0], $0xffff;
	v3 =	vor.u32 $0x80, v3  }
0x147: {  	v11 =	vld.idx.msk [tilespmem:v1+s30+$0x0], $0xffff;
	v2 =	vor.u32 $0x80, v2;
	[tilespmem:s0+$0xFFFFFFE0] =	vst v10  }
0x148: {  	v1 =	vor.u32 $0x80, v1;
	v10 =	vld.idx.msk [tilespmem:v9+s30+$0x0], $0xffff;
	[tilespmem:s0+$0x0] =	vst v14  }
0x149: {  	v9 =	vor.u32 $0x80, v9;
	[tilespmem:s0+$0x70] =	vst v7;
	v7 =	vld.idx.msk [tilespmem:v4+s30+$0x0], $0xffff  }
0x14a: {  	v8 =	vld.idx.msk [tilespmem:v8+s30+$0x0], $0xffff;
	v4 =	vor.u32 $0x80, v4;
	[tilespmem:s0+$0xFFFFFFD0] =	vst v5  }
0x14b: {  	[tilespmem:s0+$0xFFFFFFB0] =	vst v6;
	v3 =	vld.idx.msk [tilespmem:v3+s30+$0x0], $0xffff  }
0x14c: {  	[tilespmem:s0+$0xFFFFFFA0] =	vst v11;
	v2 =	vld.idx.msk [tilespmem:v2+s30+$0x0], $0xffff  }
0x14d: {  	v1 =	vld.idx.msk [tilespmem:v1+s30+$0x0], $0xffff;
	[tilespmem:s0+$0xFFFFFFC0] =	vst v10  }
0x14e: {  	v5 =	vld.idx.msk [tilespmem:v9+s30+$0x0], $0xffff;
	[tilespmem:s0+$0xFFFFFF90] =	vst v7  }
0x14f: {  	[tilespmem:s0+$0x60] =	vst v8;
	v4 =	vld.idx.msk [tilespmem:v4+s30+$0x0], $0xffff  }
0x150: {  	[tilespmem:s0+$0x50] =	vst v3  }
0x151: {  	[tilespmem:s0+$0x30] =	vst v2  }
0x152: {  	[tilespmem:s0+$0x20] =	vst v1  }
0x153: {  	[tilespmem:s0+$0x40] =	vst v5  }
0x154: {  	[tilespmem:s0+$0x10] =	vst v4  }
0x155: {  	s0 =	rddreg [dreg:$0xe]  }
0x156: {  	[hbm4b:s0+s25] =	stream.strided.scatter [tilespmem:s11], [sflag:$0x7], $0x2000, s26, s25, $0x38;
	[tilespmem:$0x11200] =	vst v63  }
0x157: {  	s19 =	rddreg [dreg:$0xf]  }
0x158: {  	[tilespmem:s30], [sflag:$0x3] =	stream.strided.gather [hbm4b:s19+s25], $0x2000, s26, s25, $0x38;
	[tilespmem:$0x11200] =	vst v63  }
0x159: {  	_ =	swait.ge [sflag:s12], $0x2000  }
0x15a: {  	[sflag:s12] =	ssyncset.done $0x0  }
0x15b: {  	s24 =	simm.s32 $0x40;
	[sflag:s12] =	ssyncadd.s32 $0xFFFFE000  }
0x15c: {  	v1 =	vld [tilespmem:s24+$0xFFFFFFC0]  }
0x15d: {  	v2 =	vld [tilespmem:s24+$0x30];
	_ =	sdelay $0x3  }
0x15e: {  	v5 =	vld [tilespmem:s24+$0x20];
	v3 =	vshll.u32 v1, $0x1  }
0x15f: {  	v6 =	vld [tilespmem:s24+$0xFFFFFFE0];
	v4 =	vshll.u32 v2, $0x1;
	v1 =	vand.u32 $0x7F, v1;
	v3 =	vand.u32 $0xFFFFFF00, v3  }
0x160: {  	v2 =	vand.u32 $0x7F, v2;
	v4 =	vand.u32 $0xFFFFFF00, v4;
	v1 =	vor.u32 v1, v3  }
0x161: {  	v7 =	vld [tilespmem:s24+$0x0];
	v2 =	vor.u32 v2, v4  }
0x162: {  	v4 =	vld [tilespmem:s24+$0x10]  }
0x163: {  	v8 =	vshll.u32 v5, $0x1;
	v3 =	vld [tilespmem:s24+$0xFFFFFFF0]  }
0x164: {  	v9 =	vld [tilespmem:s24+$0xFFFFFFD0];
	v5 =	vand.u32 $0x7F, v5;
	v15 =	vshll.u32 v6, $0x1;
	v8 =	vand.u32 $0xFFFFFF00, v8  }
0x165: {  	v6 =	vand.u32 $0x7F, v6;
	v15 =	vand.u32 $0xFFFFFF00, v15;
	v5 =	vor.u32 v5, v8;
	v10 =	vld.idx.msk [tilespmem:v1+s31+$0x0], $0xffff  }
0x166: {  	s3 =	simm.s32 $0xC0;
	v6 =	vor.u32 v6, v15;
	v11 =	vor.u32 $0x80, v1;
	v8 =	vld.idx.msk [tilespmem:v2+s31+$0x0], $0xffff  }
0x167: {  	v61 =	vld [tilespmem:s3+$0x30];
	v13 =	vor.u32 $0x80, v2;
	v12 =	vshll.u32 v4, $0x1;
	v4 =	vand.u32 $0x7F, v4  }
0x168: {  	v62 =	vld [tilespmem:s3+$0xFFFFFFC0];
	v14 =	vand.u32 $0x7F, v3;
	v3 =	vshll.u32 v3, $0x1;
	v12 =	vand.u32 $0xFFFFFF00, v12  }
0x169: {  	s7 =	simm.s32 $0xF280;
	v19 =	vld [tilespmem:s3+$0x20];
	v3 =	vand.u32 $0xFFFFFF00, v3;
	v4 =	vor.u32 v4, v12;
	v12 =	vshll.u32 v7, $0x1  }
0x16a: {  	v7 =	vand.u32 $0x7F, v7;
	v14 =	vor.u32 v14, v3;
	v3 =	vand.u32 $0xFFFFFF00, v12;
	[tilespmem:s7+$0xFFFFFF80] =	vst v10;
	v10 =	vld.idx.msk [tilespmem:v5+s31+$0x0], $0xffff  }
0x16b: {  	v7 =	vor.u32 v7, v3;
	[tilespmem:s7+$0xFFFFFFF0] =	vst v8;
	v8 =	vshll.u32 v9, $0x1;
	v11 =	vld.idx.msk [tilespmem:v11+s31+$0x0], $0xffff  }
0x16c: {  	v5 =	vor.u32 $0x80, v5;
	v9 =	vand.u32 $0x7F, v9;
	v12 =	vld.idx.msk [tilespmem:v13+s31+$0x0], $0xffff;
	v8 =	vand.u32 $0xFFFFFF00, v8  }
0x16d: {  	v13 =	vld.idx.msk [tilespmem:v6+s31+$0x0], $0xffff;
	v8 =	vor.u32 v9, v8  }
0x16e: {  	v9 =	vld.idx.msk [tilespmem:v4+s31+$0x0], $0xffff  }
0x16f: {  	v15 =	vld.idx.msk [tilespmem:v14+s31+$0x0], $0xffff;
	v4 =	vor.u32 $0x80, v4  }
0x170: {  	v6 =	vor.u32 $0x80, v6;
	v63 =	vld.idx.msk [tilespmem:v7+s31+$0x0], $0xffff;
	[tilespmem:s7+$0xFFFFFFE0] =	vst v10  }
0x171: {  	v10 =	vor.u32 $0x80, v14;
	v14 =	vld.idx.msk [tilespmem:v5+s31+$0x0], $0xffff  }
0x172: {  	v7 =	vor.u32 $0x80, v7;
	[tilespmem:s7+$0x0] =	vst v11;
	v5 =	vld.idx.msk [tilespmem:v8+s31+$0x0], $0xffff  }
0x173: {  	v1 =	vld [tilespmem:s3+$0xFFFFFFE0];
	[tilespmem:s7+$0xFFFFFFD0] =	vst v9  }
0x174: {  	[tilespmem:s7+$0xFFFFFFA0] =	vst v13;
	v20 =	vld.idx.msk [tilespmem:v4+s31+$0x0], $0xffff  }
0x175: {  	[tilespmem:s7+$0x70] =	vst v12;
	v11 =	vshll.u32 v62, $0x1;
	v4 =	vld.idx.msk [tilespmem:v6+s31+$0x0], $0xffff;
	v6 =	vshll.u32 v61, $0x1  }
0x176: {  	v3 =	vld [tilespmem:s3+$0x10];
	v12 =	vand.u32 $0x7F, v61;
	v8 =	vor.u32 $0x80, v8;
	[tilespmem:s7+$0xFFFFFFC0] =	vst v63;
	v6 =	vand.u32 $0xFFFFFF00, v6  }
0x177: {  	v11 =	vand.u32 $0xFFFFFF00, v11;
	[tilespmem:s7+$0xFFFFFF90] =	vst v5;
	v5 =	vld.idx.msk [tilespmem:v7+s31+$0x0], $0xffff;
	v7 =	vor.u32 v12, v6;
	v12 =	vand.u32 $0x7F, v62  }
0x178: {  	[tilespmem:s7+$0xFFFFFFB0] =	vst v15;
	v9 =	vld [tilespmem:s3+$0x0];
	v11 =	vor.u32 v12, v11  }
0x179: {  	v10 =	vld.idx.msk [tilespmem:v10+s31+$0x0], $0xffff  }
0x17a: {  	v2 =	vld [tilespmem:s3+$0xFFFFFFF0]  }
0x17b: {  	v13 =	vshll.u32 v19, $0x1;
	[tilespmem:s7+$0x60] =	vst v14;
	v6 =	vld.idx.msk [tilespmem:v8+s31+$0x0], $0xffff  }
0x17c: {  	s4 =	simm.s32 $0x8;
	s18 =	simm.s32 $0xF280;
	v12 =	vand.u32 $0xFFFFFF00, v13;
	v8 =	vld [tilespmem:s3+$0xFFFFFFD0];
	v13 =	vand.u32 $0x7F, v19;
	[tilespmem:s7+$0x50] =	vst v20  }
.LBB2_8:
0x17d: {  	s4 =	sadd.s32 $0x8, s4;
	v14 =	vld.idx.msk [tilespmem:v11+s31+$0x0], $0xffff;
	v11 =	vor.u32 $0x80, v11;
	v15 =	vshll.u32 v3, $0x1;
	v16 =	vor.u32 $0x80, v7;
	s7 =	sadd.s32 $0x100, s7  }
0x17e: {  	v3 =	vand.u32 $0x7F, v3;
	v12 =	vor.u32 v13, v12;
	s3 =	sadd.s32 $0x80, s3;
	p0 =	slt.u32 s4, $0xF8;
	v17 =	vand.u32 $0x7F, v9;
	v7 =	vld.idx.msk [tilespmem:v7+s31+$0x0], $0xffff;
	[tilespmem:s18+$0x30] =	vst v10  }
0x17f: {  	v13 =	vand.u32 $0x7F, v2;
	v18 =	vshll.u32 v2, $0x1;
	v19 =	vor.u32 $0x80, v12;
	v10 =	vld [tilespmem:s3+$0xFFFFFFE0];
	[tilespmem:s18+$0x20] =	vst v4  }
0x180: {  	v18 =	vand.u32 $0xFFFFFF00, v18;
	v9 =	vshll.u32 v9, $0x1;
	v4 =	vshll.u32 v1, $0x1;
	v2 =	vld [tilespmem:s3+$0xFFFFFFF0];
	[tilespmem:s18+$0x40] =	vst v5  }
0x181: {  	v15 =	vand.u32 $0xFFFFFF00, v15;
	v4 =	vand.u32 $0xFFFFFF00, v4;
	v5 =	vld [tilespmem:s3+$0x30];
	v20 =	vand.u32 $0x7F, v8;
	[tilespmem:s18+$0x10] =	vst v6;
	s18 =	smov.u32 s7  }
0x182: {  	v21 =	vand.u32 $0x7F, v1;
	v13 =	vor.u32 v13, v18;
	v15 =	vor.u32 v3, v15;
	v6 =	vld [tilespmem:s3+$0xFFFFFFC0]  }
0x183: {  	v3 =	vshll.u32 v8, $0x1;
	v4 =	vor.u32 v21, v4;
	[tilespmem:s7+$0xFFFFFF80] =	vst v14;
	v14 =	vand.u32 $0xFFFFFF00, v9;
	v8 =	vld.idx.msk [tilespmem:v12+s31+$0x0], $0xffff  }
0x184: {  	v3 =	vand.u32 $0xFFFFFF00, v3;
	v9 =	vld.idx.msk [tilespmem:v11+s31+$0x0], $0xffff;
	v11 =	vor.u32 v17, v14;
	[tilespmem:s7+$0xFFFFFFF0] =	vst v7;
	v1 =	vmov v10  }
0x185: {  	v10 =	vor.u32 v20, v3;
	v12 =	vld.idx.msk [tilespmem:v16+s31+$0x0], $0xffff  }
0x186: {  	v3 =	vld [tilespmem:s3+$0x10];
	v7 =	vand.u32 $0x7F, v5;
	v5 =	vshll.u32 v5, $0x1  }
0x187: {  	v14 =	vshll.u32 v6, $0x1;
	v5 =	vand.u32 $0xFFFFFF00, v5;
	v16 =	vld.idx.msk [tilespmem:v15+s31+$0x0], $0xffff  }
0x188: {  	v14 =	vand.u32 $0xFFFFFF00, v14;
	v7 =	vor.u32 v7, v5;
	v5 =	vld.idx.msk [tilespmem:v4+s31+$0x0], $0xffff  }
0x189: {  	v15 =	vor.u32 $0x80, v15;
	v17 =	vld.idx.msk [tilespmem:v13+s31+$0x0], $0xffff;
	[tilespmem:s7+$0xFFFFFFE0] =	vst v8  }
0x18a: {  	v4 =	vor.u32 $0x80, v4;
	[tilespmem:s7+$0x0] =	vst v9;
	v8 =	vld.idx.msk [tilespmem:v11+s31+$0x0], $0xffff  }
0x18b: {  	v9 =	vor.u32 $0x80, v13;
	v13 =	vld.idx.msk [tilespmem:v19+s31+$0x0], $0xffff;
	[tilespmem:s7+$0x70] =	vst v12  }
0x18c: {  	v12 =	vld.idx.msk [tilespmem:v10+s31+$0x0], $0xffff  }
0x18d: {  	v20 =	vor.u32 $0x80, v11;
	v19 =	vor.u32 $0x80, v10;
	v18 =	vld [tilespmem:s3+$0x20];
	[tilespmem:s7+$0xFFFFFFD0] =	vst v16  }
0x18e: {  	[tilespmem:s7+$0xFFFFFFA0] =	vst v5;
	v15 =	vld.idx.msk [tilespmem:v15+s31+$0x0], $0xffff  }
0x18f: {  	v5 =	vand.u32 $0x7F, v6;
	v4 =	vld.idx.msk [tilespmem:v4+s31+$0x0], $0xffff;
	[tilespmem:s7+$0xFFFFFFB0] =	vst v17  }
.Ltmp3:
0x190: {  	v11 =	vor.u32 v5, v14;
	v10 =	vld.idx.msk [tilespmem:v9+s31+$0x0], $0xffff;
	[tilespmem:s7+$0xFFFFFFC0] =	vst v8;
	(pc) =	sbr.rel @p0 .LBB2_8-.Ltmp3, $4  }
0x191: {  	v9 =	vld [tilespmem:s3+$0x0];
	[tilespmem:s7+$0x60] =	vst v13  }
0x192: {  	v6 =	vshll.u32 v18, $0x1;
	[tilespmem:s7+$0xFFFFFF90] =	vst v12;
	v5 =	vld.idx.msk [tilespmem:v20+s31+$0x0], $0xffff  }
0x193: {  	v12 =	vand.u32 $0xFFFFFF00, v6;
	v6 =	vld.idx.msk [tilespmem:v19+s31+$0x0], $0xffff  }
0x194: {  	v13 =	vand.u32 $0x7F, v18;
	v8 =	vld [tilespmem:s3+$0xFFFFFFD0];
	[tilespmem:s7+$0x50] =	vst v15  }
0x195: {  	_ =	sdelay $0x2  }
0x196: {  	v14 =	vor.u32 $0x80, v11  }
0x197: {  	v47 =	vld.idx.msk [tilespmem:v11+s31+$0x0], $0xffff;
	v15 =	vshll.u32 v3, $0x1;
	v16 =	vor.u32 $0x80, v7;
	v12 =	vor.u32 v13, v12  }
0x198: {  	v3 =	vand.u32 $0x7F, v3;
	v49 =	vld.idx.msk [tilespmem:v7+s31+$0x0], $0xffff;
	v17 =	vand.u32 $0x7F, v2;
	v2 =	vshll.u32 v2, $0x1  }
0x199: {  	v50 =	vshll.u32 v1, $0x1;
	v1 =	vand.u32 $0x7F, v1;
	v15 =	vand.u32 $0xFFFFFF00, v15  }
0x19a: {  	v48 =	vand.u32 $0x7F, v9;
	v2 =	vand.u32 $0xFFFFFF00, v2;
	v3 =	vor.u32 v3, v15  }
0x19b: {  	s0 =	sadd.s32 $0x100, s7;
	[tilespmem:s18+$0x30] =	vst v10;
	v51 =	vshll.u32 v9, $0x1;
	v52 =	vand.u32 $0xFFFFFF00, v50;
	v2 =	vor.u32 v17, v2  }
0x19c: {  	v1 =	vor.u32 v1, v52;
	v9 =	vand.u32 $0xFFFFFF00, v51;
	v53 =	vshll.u32 v8, $0x1;
	[tilespmem:s0+$0xFFFFFF80] =	vst v47;
	v54 =	vld.idx.msk [tilespmem:v12+s31+$0x0], $0xffff  }
0x19d: {  	v9 =	vor.u32 v48, v9;
	v55 =	vand.u32 $0x7F, v8;
	v11 =	vand.u32 $0xFFFFFF00, v53;
	[tilespmem:s0+$0xFFFFFFF0] =	vst v49;
	v14 =	vld.idx.msk [tilespmem:v14+s31+$0x0], $0xffff  }
0x19e: {  	[tilespmem:s18+$0x20] =	vst v4;
	v56 =	vor.u32 v55, v11;
	v7 =	vld.idx.msk [tilespmem:v16+s31+$0x0], $0xffff  }
0x19f: {  	v57 =	vor.u32 $0x80, v12;
	[tilespmem:s18+$0x40] =	vst v5;
	v58 =	vld.idx.msk [tilespmem:v3+s31+$0x0], $0xffff  }
0x1a0: {  	[tilespmem:s18+$0x10] =	vst v6;
	v59 =	vld.idx.msk [tilespmem:v2+s31+$0x0], $0xffff;
	v3 =	vor.u32 $0x80, v3  }
0x1a1: {  	v60 =	vld.idx.msk [tilespmem:v1+s31+$0x0], $0xffff;
	v2 =	vor.u32 $0x80, v2;
	[tilespmem:s0+$0xFFFFFFE0] =	vst v54  }
0x1a2: {  	v1 =	vor.u32 $0x80, v1;
	v61 =	vld.idx.msk [tilespmem:v9+s31+$0x0], $0xffff;
	[tilespmem:s0+$0x0] =	vst v14  }
0x1a3: {  	v9 =	vor.u32 $0x80, v9;
	[tilespmem:s0+$0x70] =	vst v7;
	v62 =	vld.idx.msk [tilespmem:v56+s31+$0x0], $0xffff  }
0x1a4: {  	v4 =	vor.u32 $0x80, v56;
	v8 =	vld.idx.msk [tilespmem:v57+s31+$0x0], $0xffff;
	[tilespmem:s0+$0xFFFFFFD0] =	vst v58  }
0x1a5: {  	[tilespmem:s0+$0xFFFFFFB0] =	vst v59;
	v3 =	vld.idx.msk [tilespmem:v3+s31+$0x0], $0xffff  }
0x1a6: {  	[tilespmem:s0+$0xFFFFFFA0] =	vst v60;
	v2 =	vld.idx.msk [tilespmem:v2+s31+$0x0], $0xffff  }
0x1a7: {  	v1 =	vld.idx.msk [tilespmem:v1+s31+$0x0], $0xffff;
	[tilespmem:s0+$0xFFFFFFC0] =	vst v61  }
0x1a8: {  	v63 =	vld.idx.msk [tilespmem:v9+s31+$0x0], $0xffff;
	[tilespmem:s0+$0xFFFFFF90] =	vst v62  }
0x1a9: {  	[tilespmem:s0+$0x60] =	vst v8;
	v4 =	vld.idx.msk [tilespmem:v4+s31+$0x0], $0xffff  }
0x1aa: {  	[tilespmem:s0+$0x50] =	vst v3  }
0x1ab: {  	[tilespmem:s0+$0x30] =	vst v2  }
0x1ac: {  	[tilespmem:s0+$0x20] =	vst v1  }
0x1ad: {  	[tilespmem:s0+$0x40] =	vst v63  }
0x1ae: {  	[tilespmem:s0+$0x10] =	vst v4  }
0x1af: {  	s0 =	rddreg [dreg:$0x10]  }
0x1b0: {  	[hbm4b:s0+s25] =	stream.strided.scatter [tilespmem:s13], [sflag:$0x8], $0x2000, s26, s25, $0x38;
	[tilespmem:$0x11200] =	vst v63  }
0x1b1: {  	s19 =	simm.s32 $0x1  }
0x1b2: {  	[tilespmem:s31], [sflag:$0x4] =	stream.strided.gather [hbm4b:s20+s25], $0x2000, s26, s25, $0x38;
	[tilespmem:$0x11200] =	vst v63  }
.LBB2_10:
0x1b3: {  	_ =	swait.ge [sflag:s2], $0x2000  }
0x1b4: {  	[sflag:s2] =	ssyncset.done $0x0  }
0x1b5: {  	[sflag:s2] =	ssyncadd.s32 $0xFFFFE000  }
0x1b6: {  	_ =	swait.ge [sflag:s14], $0x2000  }
0x1b7: {  	[sflag:s14] =	ssyncset.done $0x0  }
0x1b8: {  	s0 =	simm.s32 $0x40;
	[sflag:s14] =	ssyncadd.s32 $0xFFFFE000  }
0x1b9: {  	v1 =	vld [tilespmem:s0+$0xFFFFFFC0]  }
0x1ba: {  	v2 =	vld [tilespmem:s0+$0x30];
	_ =	sdelay $0x3  }
0x1bb: {  	v5 =	vld [tilespmem:s0+$0x20];
	v3 =	vshll.u32 v1, $0x1  }
0x1bc: {  	v6 =	vld [tilespmem:s0+$0xFFFFFFE0];
	v4 =	vshll.u32 v2, $0x1;
	v1 =	vand.u32 $0x7F, v1;
	v3 =	vand.u32 $0xFFFFFF00, v3  }
0x1bd: {  	v2 =	vand.u32 $0x7F, v2;
	v4 =	vand.u32 $0xFFFFFF00, v4;
	v1 =	vor.u32 v1, v3  }
0x1be: {  	v7 =	vld [tilespmem:s0+$0x0];
	v2 =	vor.u32 v2, v4  }
0x1bf: {  	v4 =	vld [tilespmem:s0+$0x10]  }
0x1c0: {  	v8 =	vshll.u32 v5, $0x1;
	v3 =	vld [tilespmem:s0+$0xFFFFFFF0]  }
0x1c1: {  	v9 =	vld [tilespmem:s0+$0xFFFFFFD0];
	v5 =	vand.u32 $0x7F, v5;
	v15 =	vshll.u32 v6, $0x1;
	v8 =	vand.u32 $0xFFFFFF00, v8  }
0x1c2: {  	v6 =	vand.u32 $0x7F, v6;
	v15 =	vand.u32 $0xFFFFFF00, v15;
	v5 =	vor.u32 v5, v8;
	v10 =	vld.idx.msk [tilespmem:v1+s28+$0x0], $0xffff  }
0x1c3: {  	s3 =	simm.s32 $0xC0;
	v6 =	vor.u32 v6, v15;
	v11 =	vor.u32 $0x80, v1;
	v8 =	vld.idx.msk [tilespmem:v2+s28+$0x0], $0xffff  }
0x1c4: {  	v16 =	vld [tilespmem:s3+$0x30];
	v13 =	vor.u32 $0x80, v2;
	v12 =	vshll.u32 v4, $0x1;
	v4 =	vand.u32 $0x7F, v4  }
0x1c5: {  	v17 =	vld [tilespmem:s3+$0xFFFFFFC0];
	v14 =	vand.u32 $0x7F, v3;
	v3 =	vshll.u32 v3, $0x1;
	v12 =	vand.u32 $0xFFFFFF00, v12  }
0x1c6: {  	s7 =	simm.s32 $0x9280;
	v19 =	vld [tilespmem:s3+$0x20];
	v3 =	vand.u32 $0xFFFFFF00, v3;
	v4 =	vor.u32 v4, v12;
	v12 =	vshll.u32 v7, $0x1  }
0x1c7: {  	v7 =	vand.u32 $0x7F, v7;
	v14 =	vor.u32 v14, v3;
	v3 =	vand.u32 $0xFFFFFF00, v12;
	[tilespmem:s7+$0xFFFFFF80] =	vst v10;
	v10 =	vld.idx.msk [tilespmem:v5+s28+$0x0], $0xffff  }
0x1c8: {  	v7 =	vor.u32 v7, v3;
	[tilespmem:s7+$0xFFFFFFF0] =	vst v8;
	v8 =	vshll.u32 v9, $0x1;
	v11 =	vld.idx.msk [tilespmem:v11+s28+$0x0], $0xffff  }
0x1c9: {  	v5 =	vor.u32 $0x80, v5;
	v9 =	vand.u32 $0x7F, v9;
	v12 =	vld.idx.msk [tilespmem:v13+s28+$0x0], $0xffff;
	v8 =	vand.u32 $0xFFFFFF00, v8  }
0x1ca: {  	v13 =	vld.idx.msk [tilespmem:v6+s28+$0x0], $0xffff;
	v8 =	vor.u32 v9, v8  }
0x1cb: {  	v9 =	vld.idx.msk [tilespmem:v4+s28+$0x0], $0xffff  }
0x1cc: {  	v15 =	vld.idx.msk [tilespmem:v14+s28+$0x0], $0xffff;
	v4 =	vor.u32 $0x80, v4  }
0x1cd: {  	v6 =	vor.u32 $0x80, v6;
	v18 =	vld.idx.msk [tilespmem:v7+s28+$0x0], $0xffff;
	[tilespmem:s7+$0xFFFFFFE0] =	vst v10  }
0x1ce: {  	v10 =	vor.u32 $0x80, v14;
	v14 =	vld.idx.msk [tilespmem:v5+s28+$0x0], $0xffff  }
0x1cf: {  	v7 =	vor.u32 $0x80, v7;
	[tilespmem:s7+$0x0] =	vst v11;
	v5 =	vld.idx.msk [tilespmem:v8+s28+$0x0], $0xffff  }
0x1d0: {  	v1 =	vld [tilespmem:s3+$0xFFFFFFE0];
	[tilespmem:s7+$0xFFFFFFD0] =	vst v9  }
0x1d1: {  	[tilespmem:s7+$0xFFFFFFA0] =	vst v13;
	v20 =	vld.idx.msk [tilespmem:v4+s28+$0x0], $0xffff  }
0x1d2: {  	[tilespmem:s7+$0x70] =	vst v12;
	v11 =	vshll.u32 v17, $0x1;
	v4 =	vld.idx.msk [tilespmem:v6+s28+$0x0], $0xffff;
	v6 =	vshll.u32 v16, $0x1  }
0x1d3: {  	v3 =	vld [tilespmem:s3+$0x10];
	v12 =	vand.u32 $0x7F, v16;
	v8 =	vor.u32 $0x80, v8;
	[tilespmem:s7+$0xFFFFFFC0] =	vst v18;
	v6 =	vand.u32 $0xFFFFFF00, v6  }
0x1d4: {  	v11 =	vand.u32 $0xFFFFFF00, v11;
	[tilespmem:s7+$0xFFFFFF90] =	vst v5;
	v5 =	vld.idx.msk [tilespmem:v7+s28+$0x0], $0xffff;
	v7 =	vor.u32 v12, v6;
	v12 =	vand.u32 $0x7F, v17  }
0x1d5: {  	[tilespmem:s7+$0xFFFFFFB0] =	vst v15;
	v9 =	vld [tilespmem:s3+$0x0];
	v11 =	vor.u32 v12, v11  }
0x1d6: {  	v10 =	vld.idx.msk [tilespmem:v10+s28+$0x0], $0xffff  }
0x1d7: {  	v2 =	vld [tilespmem:s3+$0xFFFFFFF0]  }
0x1d8: {  	v13 =	vshll.u32 v19, $0x1;
	[tilespmem:s7+$0x60] =	vst v14;
	v6 =	vld.idx.msk [tilespmem:v8+s28+$0x0], $0xffff  }
0x1d9: {  	s4 =	simm.s32 $0x8;
	s18 =	simm.s32 $0x9280;
	v12 =	vand.u32 $0xFFFFFF00, v13;
	v8 =	vld [tilespmem:s3+$0xFFFFFFD0];
	v13 =	vand.u32 $0x7F, v19;
	[tilespmem:s7+$0x50] =	vst v20  }
.LBB2_11:
0x1da: {  	s4 =	sadd.s32 $0x8, s4;
	v14 =	vld.idx.msk [tilespmem:v11+s28+$0x0], $0xffff;
	v11 =	vor.u32 $0x80, v11;
	v15 =	vshll.u32 v3, $0x1;
	v16 =	vor.u32 $0x80, v7;
	s7 =	sadd.s32 $0x100, s7  }
0x1db: {  	v3 =	vand.u32 $0x7F, v3;
	v12 =	vor.u32 v13, v12;
	s3 =	sadd.s32 $0x80, s3;
	p0 =	slt.u32 s4, $0xF8;
	v17 =	vand.u32 $0x7F, v9;
	v7 =	vld.idx.msk [tilespmem:v7+s28+$0x0], $0xffff;
	[tilespmem:s18+$0x30] =	vst v10  }
0x1dc: {  	v13 =	vand.u32 $0x7F, v2;
	v18 =	vshll.u32 v2, $0x1;
	v19 =	vor.u32 $0x80, v12;
	v10 =	vld [tilespmem:s3+$0xFFFFFFE0];
	[tilespmem:s18+$0x20] =	vst v4  }
0x1dd: {  	v18 =	vand.u32 $0xFFFFFF00, v18;
	v9 =	vshll.u32 v9, $0x1;
	v4 =	vshll.u32 v1, $0x1;
	v2 =	vld [tilespmem:s3+$0xFFFFFFF0];
	[tilespmem:s18+$0x40] =	vst v5  }
0x1de: {  	v15 =	vand.u32 $0xFFFFFF00, v15;
	v4 =	vand.u32 $0xFFFFFF00, v4;
	v5 =	vld [tilespmem:s3+$0x30];
	v20 =	vand.u32 $0x7F, v8;
	[tilespmem:s18+$0x10] =	vst v6;
	s18 =	smov.u32 s7  }
0x1df: {  	v21 =	vand.u32 $0x7F, v1;
	v13 =	vor.u32 v13, v18;
	v15 =	vor.u32 v3, v15;
	v6 =	vld [tilespmem:s3+$0xFFFFFFC0]  }
0x1e0: {  	v3 =	vshll.u32 v8, $0x1;
	v4 =	vor.u32 v21, v4;
	[tilespmem:s7+$0xFFFFFF80] =	vst v14;
	v14 =	vand.u32 $0xFFFFFF00, v9;
	v8 =	vld.idx.msk [tilespmem:v12+s28+$0x0], $0xffff  }
0x1e1: {  	v3 =	vand.u32 $0xFFFFFF00, v3;
	v9 =	vld.idx.msk [tilespmem:v11+s28+$0x0], $0xffff;
	v11 =	vor.u32 v17, v14;
	[tilespmem:s7+$0xFFFFFFF0] =	vst v7;
	v1 =	vmov v10  }
0x1e2: {  	v10 =	vor.u32 v20, v3;
	v12 =	vld.idx.msk [tilespmem:v16+s28+$0x0], $0xffff  }
0x1e3: {  	v3 =	vld [tilespmem:s3+$0x10];
	v7 =	vand.u32 $0x7F, v5;
	v5 =	vshll.u32 v5, $0x1  }
0x1e4: {  	v14 =	vshll.u32 v6, $0x1;
	v5 =	vand.u32 $0xFFFFFF00, v5;
	v16 =	vld.idx.msk [tilespmem:v15+s28+$0x0], $0xffff  }
0x1e5: {  	v14 =	vand.u32 $0xFFFFFF00, v14;
	v7 =	vor.u32 v7, v5;
	v5 =	vld.idx.msk [tilespmem:v4+s28+$0x0], $0xffff  }
0x1e6: {  	v15 =	vor.u32 $0x80, v15;
	v17 =	vld.idx.msk [tilespmem:v13+s28+$0x0], $0xffff;
	[tilespmem:s7+$0xFFFFFFE0] =	vst v8  }
0x1e7: {  	v4 =	vor.u32 $0x80, v4;
	[tilespmem:s7+$0x0] =	vst v9;
	v8 =	vld.idx.msk [tilespmem:v11+s28+$0x0], $0xffff  }
0x1e8: {  	v9 =	vor.u32 $0x80, v13;
	v13 =	vld.idx.msk [tilespmem:v19+s28+$0x0], $0xffff;
	[tilespmem:s7+$0x70] =	vst v12  }
0x1e9: {  	v12 =	vld.idx.msk [tilespmem:v10+s28+$0x0], $0xffff  }
0x1ea: {  	v20 =	vor.u32 $0x80, v11;
	v19 =	vor.u32 $0x80, v10;
	v18 =	vld [tilespmem:s3+$0x20];
	[tilespmem:s7+$0xFFFFFFD0] =	vst v16  }
0x1eb: {  	[tilespmem:s7+$0xFFFFFFA0] =	vst v5;
	v15 =	vld.idx.msk [tilespmem:v15+s28+$0x0], $0xffff  }
0x1ec: {  	v5 =	vand.u32 $0x7F, v6;
	v4 =	vld.idx.msk [tilespmem:v4+s28+$0x0], $0xffff;
	[tilespmem:s7+$0xFFFFFFB0] =	vst v17  }
.Ltmp4:
0x1ed: {  	v11 =	vor.u32 v5, v14;
	v10 =	vld.idx.msk [tilespmem:v9+s28+$0x0], $0xffff;
	[tilespmem:s7+$0xFFFFFFC0] =	vst v8;
	(pc) =	sbr.rel @p0 .LBB2_11-.Ltmp4, $4  }
0x1ee: {  	v9 =	vld [tilespmem:s3+$0x0];
	[tilespmem:s7+$0x60] =	vst v13  }
0x1ef: {  	v6 =	vshll.u32 v18, $0x1;
	[tilespmem:s7+$0xFFFFFF90] =	vst v12;
	v5 =	vld.idx.msk [tilespmem:v20+s28+$0x0], $0xffff  }
0x1f0: {  	v12 =	vand.u32 $0xFFFFFF00, v6;
	v6 =	vld.idx.msk [tilespmem:v19+s28+$0x0], $0xffff  }
0x1f1: {  	v13 =	vand.u32 $0x7F, v18;
	v8 =	vld [tilespmem:s3+$0xFFFFFFD0];
	[tilespmem:s7+$0x50] =	vst v15  }
0x1f2: {  	_ =	sdelay $0x2  }
0x1f3: {  	v14 =	vor.u32 $0x80, v11  }
0x1f4: {  	v11 =	vld.idx.msk [tilespmem:v11+s28+$0x0], $0xffff;
	v15 =	vshll.u32 v3, $0x1;
	v16 =	vor.u32 $0x80, v7;
	v12 =	vor.u32 v13, v12  }
0x1f5: {  	v3 =	vand.u32 $0x7F, v3;
	v7 =	vld.idx.msk [tilespmem:v7+s28+$0x0], $0xffff;
	v17 =	vand.u32 $0x7F, v2;
	v2 =	vshll.u32 v2, $0x1  }
0x1f6: {  	v18 =	vshll.u32 v1, $0x1;
	v1 =	vand.u32 $0x7F, v1;
	v15 =	vand.u32 $0xFFFFFF00, v15  }
0x1f7: {  	v13 =	vand.u32 $0x7F, v9;
	v2 =	vand.u32 $0xFFFFFF00, v2;
	v3 =	vor.u32 v3, v15  }
0x1f8: {  	s0 =	sadd.s32 $0x100, s7;
	[tilespmem:s18+$0x30] =	vst v10;
	v9 =	vshll.u32 v9, $0x1;
	v10 =	vand.u32 $0xFFFFFF00, v18;
	v2 =	vor.u32 v17, v2  }
0x1f9: {  	v1 =	vor.u32 v1, v10;
	v9 =	vand.u32 $0xFFFFFF00, v9;
	[tilespmem:s0+$0xFFFFFF80] =	vst v11;
	v11 =	vshll.u32 v8, $0x1;
	v10 =	vld.idx.msk [tilespmem:v12+s28+$0x0], $0xffff  }
0x1fa: {  	v9 =	vor.u32 v13, v9;
	v8 =	vand.u32 $0x7F, v8;
	[tilespmem:s0+$0xFFFFFFF0] =	vst v7;
	v14 =	vld.idx.msk [tilespmem:v14+s28+$0x0], $0xffff;
	v11 =	vand.u32 $0xFFFFFF00, v11  }
0x1fb: {  	[tilespmem:s18+$0x20] =	vst v4;
	v7 =	vld.idx.msk [tilespmem:v16+s28+$0x0], $0xffff;
	v4 =	vor.u32 v8, v11  }
0x1fc: {  	[tilespmem:s18+$0x40] =	vst v5;
	v8 =	vor.u32 $0x80, v12;
	v5 =	vld.idx.msk [tilespmem:v3+s28+$0x0], $0xffff  }
0x1fd: {  	[tilespmem:s18+$0x10] =	vst v6;
	v6 =	vld.idx.msk [tilespmem:v2+s28+$0x0], $0xffff;
	v3 =	vor.u32 $0x80, v3  }
0x1fe: {  	v11 =	vld.idx.msk [tilespmem:v1+s28+$0x0], $0xffff;
	v2 =	vor.u32 $0x80, v2;
	[tilespmem:s0+$0xFFFFFFE0] =	vst v10  }
0x1ff: {  	v1 =	vor.u32 $0x80, v1;
	v10 =	vld.idx.msk [tilespmem:v9+s28+$0x0], $0xffff;
	[tilespmem:s0+$0x0] =	vst v14  }
0x200: {  	v9 =	vor.u32 $0x80, v9;
	[tilespmem:s0+$0x70] =	vst v7;
	v7 =	vld.idx.msk [tilespmem:v4+s28+$0x0], $0xffff  }
0x201: {  	v8 =	vld.idx.msk [tilespmem:v8+s28+$0x0], $0xffff;
	v4 =	vor.u32 $0x80, v4;
	[tilespmem:s0+$0xFFFFFFD0] =	vst v5  }
0x202: {  	[tilespmem:s0+$0xFFFFFFB0] =	vst v6;
	v3 =	vld.idx.msk [tilespmem:v3+s28+$0x0], $0xffff  }
0x203: {  	[tilespmem:s0+$0xFFFFFFA0] =	vst v11;
	v2 =	vld.idx.msk [tilespmem:v2+s28+$0x0], $0xffff  }
0x204: {  	v1 =	vld.idx.msk [tilespmem:v1+s28+$0x0], $0xffff;
	[tilespmem:s0+$0xFFFFFFC0] =	vst v10  }
0x205: {  	v5 =	vld.idx.msk [tilespmem:v9+s28+$0x0], $0xffff;
	[tilespmem:s0+$0xFFFFFF90] =	vst v7  }
0x206: {  	[tilespmem:s0+$0x60] =	vst v8;
	v4 =	vld.idx.msk [tilespmem:v4+s28+$0x0], $0xffff  }
0x207: {  	[tilespmem:s0+$0x50] =	vst v3  }
0x208: {  	[tilespmem:s0+$0x30] =	vst v2  }
0x209: {  	s3 =	sadd.s32 s9, s19;
	[tilespmem:s0+$0x20] =	vst v1  }
0x20a: {  	s24 =	sshll.u32 s19, $0x2;
	s7 =	rddreg [dreg:$0x2];
	s3 =	sshll.u32 s3, $0xC;
	[tilespmem:s0+$0x40] =	vst v5  }
0x20b: {  	s4 =	smin.u32 s24, $0xFB;
	s18 =	simm.s32 $0x9200;
	[tilespmem:s0+$0x10] =	vst v4;
	s0 =	sadd.s32 s7, s3  }
0x20c: {  	[hbm4b:s0+s25] =	stream.strided.scatter [tilespmem:s18], [sflag:$0x5], $0x2000, s26, s25, $0x38;
	[tilespmem:$0x11200] =	vst v63  }
0x20d: {  	s0 =	sadd.s32 $0x4, s4  }
0x20e: {  	s7 =	sshll.u32 s0, $0xA;
	s0 =	sshll.u32 s0, $0x5  }
0x20f: {  	s3 =	sadd.s32 s6, s7;
	s0 =	sand.u32 $0x60, s0  }
0x210: {  	s3 =	sand.u32 $0xFFF000, s3;
	s0 =	sadd.s32 s1, s0  }
0x211: {  	s0 =	sadd.s32 s3, s0  }
0x212: {  	[tilespmem:s28], [sflag:$0x1] =	stream.strided.gather [hbm4b:s0+s25], $0x2000, s26, s25, $0x38;
	[tilespmem:$0x11200] =	vst v63  }
0x213: {  	_ =	swait.ge [sflag:s5], $0x2000  }
0x214: {  	[sflag:s5] =	ssyncset.done $0x0  }
0x215: {  	[sflag:s5] =	ssyncadd.s32 $0xFFFFE000  }
0x216: {  	_ =	swait.ge [sflag:s15], $0x2000  }
0x217: {  	[sflag:s15] =	ssyncset.done $0x0  }
0x218: {  	s18 =	simm.s32 $0x40;
	[sflag:s15] =	ssyncadd.s32 $0xFFFFE000  }
0x219: {  	v1 =	vld [tilespmem:s18+$0xFFFFFFC0]  }
0x21a: {  	v2 =	vld [tilespmem:s18+$0x30];
	_ =	sdelay $0x3  }
0x21b: {  	v5 =	vld [tilespmem:s18+$0x20];
	v3 =	vshll.u32 v1, $0x1  }
0x21c: {  	v6 =	vld [tilespmem:s18+$0xFFFFFFE0];
	v4 =	vshll.u32 v2, $0x1;
	v1 =	vand.u32 $0x7F, v1;
	v3 =	vand.u32 $0xFFFFFF00, v3  }
0x21d: {  	v2 =	vand.u32 $0x7F, v2;
	v4 =	vand.u32 $0xFFFFFF00, v4;
	v1 =	vor.u32 v1, v3  }
0x21e: {  	v7 =	vld [tilespmem:s18+$0x0];
	v2 =	vor.u32 v2, v4  }
0x21f: {  	v4 =	vld [tilespmem:s18+$0x10]  }
0x220: {  	v8 =	vshll.u32 v5, $0x1;
	v3 =	vld [tilespmem:s18+$0xFFFFFFF0]  }
0x221: {  	v9 =	vld [tilespmem:s18+$0xFFFFFFD0];
	v5 =	vand.u32 $0x7F, v5;
	v15 =	vshll.u32 v6, $0x1;
	v8 =	vand.u32 $0xFFFFFF00, v8  }
0x222: {  	v6 =	vand.u32 $0x7F, v6;
	v15 =	vand.u32 $0xFFFFFF00, v15;
	v5 =	vor.u32 v5, v8;
	v10 =	vld.idx.msk [tilespmem:v1+s29+$0x0], $0xffff  }
0x223: {  	s3 =	simm.s32 $0xC0;
	v6 =	vor.u32 v6, v15;
	v11 =	vor.u32 $0x80, v1;
	v8 =	vld.idx.msk [tilespmem:v2+s29+$0x0], $0xffff  }
0x224: {  	v61 =	vld [tilespmem:s3+$0x30];
	v13 =	vor.u32 $0x80, v2;
	v12 =	vshll.u32 v4, $0x1;
	v4 =	vand.u32 $0x7F, v4  }
0x225: {  	v62 =	vld [tilespmem:s3+$0xFFFFFFC0];
	v14 =	vand.u32 $0x7F, v3;
	v3 =	vshll.u32 v3, $0x1;
	v12 =	vand.u32 $0xFFFFFF00, v12  }
0x226: {  	s7 =	simm.s32 $0xB280;
	v19 =	vld [tilespmem:s3+$0x20];
	v3 =	vand.u32 $0xFFFFFF00, v3;
	v4 =	vor.u32 v4, v12;
	v12 =	vshll.u32 v7, $0x1  }
0x227: {  	v7 =	vand.u32 $0x7F, v7;
	v14 =	vor.u32 v14, v3;
	v3 =	vand.u32 $0xFFFFFF00, v12;
	[tilespmem:s7+$0xFFFFFF80] =	vst v10;
	v10 =	vld.idx.msk [tilespmem:v5+s29+$0x0], $0xffff  }
0x228: {  	v7 =	vor.u32 v7, v3;
	[tilespmem:s7+$0xFFFFFFF0] =	vst v8;
	v8 =	vshll.u32 v9, $0x1;
	v11 =	vld.idx.msk [tilespmem:v11+s29+$0x0], $0xffff  }
0x229: {  	v5 =	vor.u32 $0x80, v5;
	v9 =	vand.u32 $0x7F, v9;
	v12 =	vld.idx.msk [tilespmem:v13+s29+$0x0], $0xffff;
	v8 =	vand.u32 $0xFFFFFF00, v8  }
0x22a: {  	v13 =	vld.idx.msk [tilespmem:v6+s29+$0x0], $0xffff;
	v8 =	vor.u32 v9, v8  }
0x22b: {  	v9 =	vld.idx.msk [tilespmem:v4+s29+$0x0], $0xffff  }
0x22c: {  	v15 =	vld.idx.msk [tilespmem:v14+s29+$0x0], $0xffff;
	v4 =	vor.u32 $0x80, v4  }
0x22d: {  	v6 =	vor.u32 $0x80, v6;
	v63 =	vld.idx.msk [tilespmem:v7+s29+$0x0], $0xffff;
	[tilespmem:s7+$0xFFFFFFE0] =	vst v10  }
0x22e: {  	v10 =	vor.u32 $0x80, v14;
	v14 =	vld.idx.msk [tilespmem:v5+s29+$0x0], $0xffff  }
0x22f: {  	v7 =	vor.u32 $0x80, v7;
	[tilespmem:s7+$0x0] =	vst v11;
	v5 =	vld.idx.msk [tilespmem:v8+s29+$0x0], $0xffff  }
0x230: {  	v1 =	vld [tilespmem:s3+$0xFFFFFFE0];
	[tilespmem:s7+$0xFFFFFFD0] =	vst v9  }
0x231: {  	[tilespmem:s7+$0xFFFFFFA0] =	vst v13;
	v20 =	vld.idx.msk [tilespmem:v4+s29+$0x0], $0xffff  }
0x232: {  	[tilespmem:s7+$0x70] =	vst v12;
	v11 =	vshll.u32 v62, $0x1;
	v4 =	vld.idx.msk [tilespmem:v6+s29+$0x0], $0xffff;
	v6 =	vshll.u32 v61, $0x1  }
0x233: {  	v3 =	vld [tilespmem:s3+$0x10];
	v12 =	vand.u32 $0x7F, v61;
	v8 =	vor.u32 $0x80, v8;
	[tilespmem:s7+$0xFFFFFFC0] =	vst v63;
	v6 =	vand.u32 $0xFFFFFF00, v6  }
0x234: {  	v11 =	vand.u32 $0xFFFFFF00, v11;
	[tilespmem:s7+$0xFFFFFF90] =	vst v5;
	v5 =	vld.idx.msk [tilespmem:v7+s29+$0x0], $0xffff;
	v7 =	vor.u32 v12, v6;
	v12 =	vand.u32 $0x7F, v62  }
0x235: {  	[tilespmem:s7+$0xFFFFFFB0] =	vst v15;
	v9 =	vld [tilespmem:s3+$0x0];
	v11 =	vor.u32 v12, v11  }
0x236: {  	v10 =	vld.idx.msk [tilespmem:v10+s29+$0x0], $0xffff  }
0x237: {  	v2 =	vld [tilespmem:s3+$0xFFFFFFF0]  }
0x238: {  	v13 =	vshll.u32 v19, $0x1;
	[tilespmem:s7+$0x60] =	vst v14;
	v6 =	vld.idx.msk [tilespmem:v8+s29+$0x0], $0xffff  }
0x239: {  	s4 =	simm.s32 $0x8;
	s18 =	simm.s32 $0xB280;
	v12 =	vand.u32 $0xFFFFFF00, v13;
	v8 =	vld [tilespmem:s3+$0xFFFFFFD0];
	v13 =	vand.u32 $0x7F, v19;
	[tilespmem:s7+$0x50] =	vst v20  }
.LBB2_13:
0x23a: {  	s4 =	sadd.s32 $0x8, s4;
	v14 =	vld.idx.msk [tilespmem:v11+s29+$0x0], $0xffff;
	v11 =	vor.u32 $0x80, v11;
	v15 =	vshll.u32 v3, $0x1;
	v16 =	vor.u32 $0x80, v7;
	s7 =	sadd.s32 $0x100, s7  }
0x23b: {  	v3 =	vand.u32 $0x7F, v3;
	v12 =	vor.u32 v13, v12;
	s3 =	sadd.s32 $0x80, s3;
	p0 =	slt.u32 s4, $0xF8;
	v17 =	vand.u32 $0x7F, v9;
	v7 =	vld.idx.msk [tilespmem:v7+s29+$0x0], $0xffff;
	[tilespmem:s18+$0x30] =	vst v10  }
0x23c: {  	v13 =	vand.u32 $0x7F, v2;
	v18 =	vshll.u32 v2, $0x1;
	v19 =	vor.u32 $0x80, v12;
	v10 =	vld [tilespmem:s3+$0xFFFFFFE0];
	[tilespmem:s18+$0x20] =	vst v4  }
0x23d: {  	v18 =	vand.u32 $0xFFFFFF00, v18;
	v9 =	vshll.u32 v9, $0x1;
	v4 =	vshll.u32 v1, $0x1;
	v2 =	vld [tilespmem:s3+$0xFFFFFFF0];
	[tilespmem:s18+$0x40] =	vst v5  }
0x23e: {  	v15 =	vand.u32 $0xFFFFFF00, v15;
	v4 =	vand.u32 $0xFFFFFF00, v4;
	v5 =	vld [tilespmem:s3+$0x30];
	v20 =	vand.u32 $0x7F, v8;
	[tilespmem:s18+$0x10] =	vst v6;
	s18 =	smov.u32 s7  }
0x23f: {  	v21 =	vand.u32 $0x7F, v1;
	v13 =	vor.u32 v13, v18;
	v15 =	vor.u32 v3, v15;
	v6 =	vld [tilespmem:s3+$0xFFFFFFC0]  }
0x240: {  	v3 =	vshll.u32 v8, $0x1;
	v4 =	vor.u32 v21, v4;
	[tilespmem:s7+$0xFFFFFF80] =	vst v14;
	v14 =	vand.u32 $0xFFFFFF00, v9;
	v8 =	vld.idx.msk [tilespmem:v12+s29+$0x0], $0xffff  }
0x241: {  	v3 =	vand.u32 $0xFFFFFF00, v3;
	v9 =	vld.idx.msk [tilespmem:v11+s29+$0x0], $0xffff;
	v11 =	vor.u32 v17, v14;
	[tilespmem:s7+$0xFFFFFFF0] =	vst v7;
	v1 =	vmov v10  }
0x242: {  	v10 =	vor.u32 v20, v3;
	v12 =	vld.idx.msk [tilespmem:v16+s29+$0x0], $0xffff  }
0x243: {  	v3 =	vld [tilespmem:s3+$0x10];
	v7 =	vand.u32 $0x7F, v5;
	v5 =	vshll.u32 v5, $0x1  }
0x244: {  	v14 =	vshll.u32 v6, $0x1;
	v5 =	vand.u32 $0xFFFFFF00, v5;
	v16 =	vld.idx.msk [tilespmem:v15+s29+$0x0], $0xffff  }
0x245: {  	v14 =	vand.u32 $0xFFFFFF00, v14;
	v7 =	vor.u32 v7, v5;
	v5 =	vld.idx.msk [tilespmem:v4+s29+$0x0], $0xffff  }
0x246: {  	v15 =	vor.u32 $0x80, v15;
	v17 =	vld.idx.msk [tilespmem:v13+s29+$0x0], $0xffff;
	[tilespmem:s7+$0xFFFFFFE0] =	vst v8  }
0x247: {  	v4 =	vor.u32 $0x80, v4;
	[tilespmem:s7+$0x0] =	vst v9;
	v8 =	vld.idx.msk [tilespmem:v11+s29+$0x0], $0xffff  }
0x248: {  	v9 =	vor.u32 $0x80, v13;
	v13 =	vld.idx.msk [tilespmem:v19+s29+$0x0], $0xffff;
	[tilespmem:s7+$0x70] =	vst v12  }
0x249: {  	v12 =	vld.idx.msk [tilespmem:v10+s29+$0x0], $0xffff  }
0x24a: {  	v20 =	vor.u32 $0x80, v11;
	v19 =	vor.u32 $0x80, v10;
	v18 =	vld [tilespmem:s3+$0x20];
	[tilespmem:s7+$0xFFFFFFD0] =	vst v16  }
0x24b: {  	[tilespmem:s7+$0xFFFFFFA0] =	vst v5;
	v15 =	vld.idx.msk [tilespmem:v15+s29+$0x0], $0xffff  }
0x24c: {  	v5 =	vand.u32 $0x7F, v6;
	v4 =	vld.idx.msk [tilespmem:v4+s29+$0x0], $0xffff;
	[tilespmem:s7+$0xFFFFFFB0] =	vst v17  }
.Ltmp5:
0x24d: {  	v11 =	vor.u32 v5, v14;
	v10 =	vld.idx.msk [tilespmem:v9+s29+$0x0], $0xffff;
	[tilespmem:s7+$0xFFFFFFC0] =	vst v8;
	(pc) =	sbr.rel @p0 .LBB2_13-.Ltmp5, $4  }
0x24e: {  	v9 =	vld [tilespmem:s3+$0x0];
	[tilespmem:s7+$0x60] =	vst v13  }
0x24f: {  	v6 =	vshll.u32 v18, $0x1;
	[tilespmem:s7+$0xFFFFFF90] =	vst v12;
	v5 =	vld.idx.msk [tilespmem:v20+s29+$0x0], $0xffff  }
0x250: {  	v12 =	vand.u32 $0xFFFFFF00, v6;
	v6 =	vld.idx.msk [tilespmem:v19+s29+$0x0], $0xffff  }
0x251: {  	v13 =	vand.u32 $0x7F, v18;
	v8 =	vld [tilespmem:s3+$0xFFFFFFD0];
	[tilespmem:s7+$0x50] =	vst v15  }
0x252: {  	_ =	sdelay $0x2  }
0x253: {  	v14 =	vor.u32 $0x80, v11  }
0x254: {  	v11 =	vld.idx.msk [tilespmem:v11+s29+$0x0], $0xffff;
	v15 =	vshll.u32 v3, $0x1;
	v16 =	vor.u32 $0x80, v7;
	v12 =	vor.u32 v13, v12  }
0x255: {  	v3 =	vand.u32 $0x7F, v3;
	v7 =	vld.idx.msk [tilespmem:v7+s29+$0x0], $0xffff;
	v17 =	vand.u32 $0x7F, v2;
	v2 =	vshll.u32 v2, $0x1  }
0x256: {  	v18 =	vshll.u32 v1, $0x1;
	v1 =	vand.u32 $0x7F, v1;
	v15 =	vand.u32 $0xFFFFFF00, v15  }
0x257: {  	v13 =	vand.u32 $0x7F, v9;
	v2 =	vand.u32 $0xFFFFFF00, v2;
	v3 =	vor.u32 v3, v15  }
0x258: {  	s0 =	sadd.s32 $0x100, s7;
	[tilespmem:s18+$0x30] =	vst v10;
	v9 =	vshll.u32 v9, $0x1;
	v10 =	vand.u32 $0xFFFFFF00, v18;
	v2 =	vor.u32 v17, v2  }
0x259: {  	v1 =	vor.u32 v1, v10;
	v9 =	vand.u32 $0xFFFFFF00, v9;
	[tilespmem:s0+$0xFFFFFF80] =	vst v11;
	v11 =	vshll.u32 v8, $0x1;
	v10 =	vld.idx.msk [tilespmem:v12+s29+$0x0], $0xffff  }
0x25a: {  	v9 =	vor.u32 v13, v9;
	v8 =	vand.u32 $0x7F, v8;
	[tilespmem:s0+$0xFFFFFFF0] =	vst v7;
	v14 =	vld.idx.msk [tilespmem:v14+s29+$0x0], $0xffff;
	v11 =	vand.u32 $0xFFFFFF00, v11  }
0x25b: {  	[tilespmem:s18+$0x20] =	vst v4;
	v7 =	vld.idx.msk [tilespmem:v16+s29+$0x0], $0xffff;
	v4 =	vor.u32 v8, v11  }
0x25c: {  	[tilespmem:s18+$0x40] =	vst v5;
	v8 =	vor.u32 $0x80, v12;
	v5 =	vld.idx.msk [tilespmem:v3+s29+$0x0], $0xffff  }
0x25d: {  	[tilespmem:s18+$0x10] =	vst v6;
	v6 =	vld.idx.msk [tilespmem:v2+s29+$0x0], $0xffff;
	v3 =	vor.u32 $0x80, v3  }
0x25e: {  	v11 =	vld.idx.msk [tilespmem:v1+s29+$0x0], $0xffff;
	v2 =	vor.u32 $0x80, v2;
	[tilespmem:s0+$0xFFFFFFE0] =	vst v10  }
0x25f: {  	v1 =	vor.u32 $0x80, v1;
	v10 =	vld.idx.msk [tilespmem:v9+s29+$0x0], $0xffff;
	[tilespmem:s0+$0x0] =	vst v14  }
0x260: {  	v9 =	vor.u32 $0x80, v9;
	[tilespmem:s0+$0x70] =	vst v7;
	v7 =	vld.idx.msk [tilespmem:v4+s29+$0x0], $0xffff  }
0x261: {  	v8 =	vld.idx.msk [tilespmem:v8+s29+$0x0], $0xffff;
	v4 =	vor.u32 $0x80, v4;
	[tilespmem:s0+$0xFFFFFFD0] =	vst v5  }
0x262: {  	[tilespmem:s0+$0xFFFFFFB0] =	vst v6;
	v3 =	vld.idx.msk [tilespmem:v3+s29+$0x0], $0xffff  }
0x263: {  	[tilespmem:s0+$0xFFFFFFA0] =	vst v11;
	v2 =	vld.idx.msk [tilespmem:v2+s29+$0x0], $0xffff  }
0x264: {  	v1 =	vld.idx.msk [tilespmem:v1+s29+$0x0], $0xffff;
	[tilespmem:s0+$0xFFFFFFC0] =	vst v10  }
0x265: {  	v5 =	vld.idx.msk [tilespmem:v9+s29+$0x0], $0xffff;
	[tilespmem:s0+$0xFFFFFF90] =	vst v7  }
0x266: {  	[tilespmem:s0+$0x60] =	vst v8;
	v4 =	vld.idx.msk [tilespmem:v4+s29+$0x0], $0xffff  }
0x267: {  	[tilespmem:s0+$0x50] =	vst v3  }
0x268: {  	[tilespmem:s0+$0x30] =	vst v2  }
0x269: {  	s3 =	sshll.u32 s19, $0xC;
	[tilespmem:s0+$0x20] =	vst v1  }
0x26a: {  	s7 =	sadd.s32 s6, s3;
	s3 =	smin.u32 s24, $0xFA;
	[tilespmem:s0+$0x40] =	vst v5  }
0x26b: {  	s18 =	sadd.s32 s7, s21;
	[tilespmem:s0+$0x10] =	vst v4;
	s0 =	sadd.s32 $0x5, s3  }
0x26c: {  	[hbm4b:s18+s25] =	stream.strided.scatter [tilespmem:s8], [sflag:$0x6], $0x2000, s26, s25, $0x38;
	[tilespmem:$0x11200] =	vst v63  }
0x26d: {  	s4 =	sshll.u32 s0, $0xA;
	s0 =	sshll.u32 s0, $0x5  }
0x26e: {  	s3 =	sadd.s32 s6, s4;
	s0 =	sand.u32 $0x60, s0  }
0x26f: {  	s3 =	sand.u32 $0xFFF000, s3;
	s0 =	sadd.s32 s1, s0  }
0x270: {  	s0 =	sadd.s32 s3, s0  }
0x271: {  	[tilespmem:s29], [sflag:$0x2] =	stream.strided.gather [hbm4b:s0+s25], $0x2000, s26, s25, $0x38;
	[tilespmem:$0x11200] =	vst v63  }
0x272: {  	_ =	swait.ge [sflag:s10], $0x2000  }
0x273: {  	[sflag:s10] =	ssyncset.done $0x0  }
0x274: {  	[sflag:s10] =	ssyncadd.s32 $0xFFFFE000  }
0x275: {  	_ =	swait.ge [sflag:s16], $0x2000  }
0x276: {  	[sflag:s16] =	ssyncset.done $0x0  }
0x277: {  	s18 =	simm.s32 $0x40;
	[sflag:s16] =	ssyncadd.s32 $0xFFFFE000  }
0x278: {  	v1 =	vld [tilespmem:s18+$0xFFFFFFC0]  }
0x279: {  	v2 =	vld [tilespmem:s18+$0x30];
	_ =	sdelay $0x3  }
0x27a: {  	v5 =	vld [tilespmem:s18+$0x20];
	v3 =	vshll.u32 v1, $0x1  }
0x27b: {  	v6 =	vld [tilespmem:s18+$0xFFFFFFE0];
	v4 =	vshll.u32 v2, $0x1;
	v1 =	vand.u32 $0x7F, v1;
	v3 =	vand.u32 $0xFFFFFF00, v3  }
0x27c: {  	v2 =	vand.u32 $0x7F, v2;
	v4 =	vand.u32 $0xFFFFFF00, v4;
	v1 =	vor.u32 v1, v3  }
0x27d: {  	v7 =	vld [tilespmem:s18+$0x0];
	v2 =	vor.u32 v2, v4  }
0x27e: {  	v4 =	vld [tilespmem:s18+$0x10]  }
0x27f: {  	v8 =	vshll.u32 v5, $0x1;
	v3 =	vld [tilespmem:s18+$0xFFFFFFF0]  }
0x280: {  	v9 =	vld [tilespmem:s18+$0xFFFFFFD0];
	v5 =	vand.u32 $0x7F, v5;
	v15 =	vshll.u32 v6, $0x1;
	v8 =	vand.u32 $0xFFFFFF00, v8  }
0x281: {  	v6 =	vand.u32 $0x7F, v6;
	v15 =	vand.u32 $0xFFFFFF00, v15;
	v5 =	vor.u32 v5, v8;
	v10 =	vld.idx.msk [tilespmem:v1+s30+$0x0], $0xffff  }
0x282: {  	s18 =	simm.s32 $0xC0;
	v6 =	vor.u32 v6, v15;
	v11 =	vor.u32 $0x80, v1;
	v8 =	vld.idx.msk [tilespmem:v2+s30+$0x0], $0xffff  }
0x283: {  	v13 =	vor.u32 $0x80, v2;
	v61 =	vld [tilespmem:s18+$0x30];
	v12 =	vshll.u32 v4, $0x1;
	v4 =	vand.u32 $0x7F, v4  }
0x284: {  	v62 =	vld [tilespmem:s18+$0xFFFFFFC0];
	v14 =	vand.u32 $0x7F, v3;
	v3 =	vshll.u32 v3, $0x1;
	v12 =	vand.u32 $0xFFFFFF00, v12  }
0x285: {  	s3 =	simm.s32 $0xD280;
	v19 =	vld [tilespmem:s18+$0x20];
	v3 =	vand.u32 $0xFFFFFF00, v3;
	v4 =	vor.u32 v4, v12;
	v12 =	vshll.u32 v7, $0x1  }
0x286: {  	v7 =	vand.u32 $0x7F, v7;
	v14 =	vor.u32 v14, v3;
	v3 =	vand.u32 $0xFFFFFF00, v12;
	[tilespmem:s3+$0xFFFFFF80] =	vst v10;
	v10 =	vld.idx.msk [tilespmem:v5+s30+$0x0], $0xffff  }
0x287: {  	v7 =	vor.u32 v7, v3;
	[tilespmem:s3+$0xFFFFFFF0] =	vst v8;
	v8 =	vshll.u32 v9, $0x1;
	v11 =	vld.idx.msk [tilespmem:v11+s30+$0x0], $0xffff  }
0x288: {  	v5 =	vor.u32 $0x80, v5;
	v9 =	vand.u32 $0x7F, v9;
	v12 =	vld.idx.msk [tilespmem:v13+s30+$0x0], $0xffff;
	v8 =	vand.u32 $0xFFFFFF00, v8  }
0x289: {  	v13 =	vld.idx.msk [tilespmem:v6+s30+$0x0], $0xffff;
	v8 =	vor.u32 v9, v8  }
0x28a: {  	v9 =	vld.idx.msk [tilespmem:v4+s30+$0x0], $0xffff  }
0x28b: {  	v15 =	vld.idx.msk [tilespmem:v14+s30+$0x0], $0xffff;
	v4 =	vor.u32 $0x80, v4  }
0x28c: {  	v6 =	vor.u32 $0x80, v6;
	v63 =	vld.idx.msk [tilespmem:v7+s30+$0x0], $0xffff;
	[tilespmem:s3+$0xFFFFFFE0] =	vst v10  }
0x28d: {  	v10 =	vor.u32 $0x80, v14;
	v14 =	vld.idx.msk [tilespmem:v5+s30+$0x0], $0xffff  }
0x28e: {  	v7 =	vor.u32 $0x80, v7;
	[tilespmem:s3+$0x0] =	vst v11;
	v5 =	vld.idx.msk [tilespmem:v8+s30+$0x0], $0xffff  }
0x28f: {  	v1 =	vld [tilespmem:s18+$0xFFFFFFE0];
	[tilespmem:s3+$0xFFFFFFD0] =	vst v9  }
0x290: {  	[tilespmem:s3+$0xFFFFFFA0] =	vst v13;
	v20 =	vld.idx.msk [tilespmem:v4+s30+$0x0], $0xffff  }
0x291: {  	[tilespmem:s3+$0x70] =	vst v12;
	v11 =	vshll.u32 v62, $0x1;
	v4 =	vld.idx.msk [tilespmem:v6+s30+$0x0], $0xffff;
	v6 =	vshll.u32 v61, $0x1  }
0x292: {  	v3 =	vld [tilespmem:s18+$0x10];
	v12 =	vand.u32 $0x7F, v61;
	v8 =	vor.u32 $0x80, v8;
	[tilespmem:s3+$0xFFFFFFC0] =	vst v63;
	v6 =	vand.u32 $0xFFFFFF00, v6  }
0x293: {  	v11 =	vand.u32 $0xFFFFFF00, v11;
	[tilespmem:s3+$0xFFFFFF90] =	vst v5;
	v5 =	vld.idx.msk [tilespmem:v7+s30+$0x0], $0xffff;
	v7 =	vor.u32 v12, v6;
	v12 =	vand.u32 $0x7F, v62  }
0x294: {  	[tilespmem:s3+$0xFFFFFFB0] =	vst v15;
	v9 =	vld [tilespmem:s18+$0x0];
	v11 =	vor.u32 v12, v11  }
0x295: {  	v10 =	vld.idx.msk [tilespmem:v10+s30+$0x0], $0xffff  }
0x296: {  	v2 =	vld [tilespmem:s18+$0xFFFFFFF0]  }
0x297: {  	v13 =	vshll.u32 v19, $0x1;
	[tilespmem:s3+$0x60] =	vst v14;
	v6 =	vld.idx.msk [tilespmem:v8+s30+$0x0], $0xffff  }
0x298: {  	s4 =	simm.s32 $0xD280;
	s0 =	simm.s32 $0x8;
	v12 =	vand.u32 $0xFFFFFF00, v13;
	v8 =	vld [tilespmem:s18+$0xFFFFFFD0];
	v13 =	vand.u32 $0x7F, v19;
	[tilespmem:s3+$0x50] =	vst v20  }
.LBB2_15:
0x299: {  	s0 =	sadd.s32 $0x8, s0;
	v14 =	vld.idx.msk [tilespmem:v11+s30+$0x0], $0xffff;
	v11 =	vor.u32 $0x80, v11;
	v15 =	vshll.u32 v3, $0x1;
	v16 =	vor.u32 $0x80, v7;
	s3 =	sadd.s32 $0x100, s3  }
0x29a: {  	v3 =	vand.u32 $0x7F, v3;
	v12 =	vor.u32 v13, v12;
	s18 =	sadd.s32 $0x80, s18;
	p0 =	slt.u32 s0, $0xF8;
	v17 =	vand.u32 $0x7F, v9;
	v7 =	vld.idx.msk [tilespmem:v7+s30+$0x0], $0xffff;
	[tilespmem:s4+$0x30] =	vst v10  }
0x29b: {  	v13 =	vand.u32 $0x7F, v2;
	v18 =	vshll.u32 v2, $0x1;
	v19 =	vor.u32 $0x80, v12;
	v10 =	vld [tilespmem:s18+$0xFFFFFFE0];
	[tilespmem:s4+$0x20] =	vst v4  }
0x29c: {  	v18 =	vand.u32 $0xFFFFFF00, v18;
	v9 =	vshll.u32 v9, $0x1;
	v4 =	vshll.u32 v1, $0x1;
	v2 =	vld [tilespmem:s18+$0xFFFFFFF0];
	[tilespmem:s4+$0x40] =	vst v5  }
0x29d: {  	v15 =	vand.u32 $0xFFFFFF00, v15;
	v4 =	vand.u32 $0xFFFFFF00, v4;
	v5 =	vld [tilespmem:s18+$0x30];
	v20 =	vand.u32 $0x7F, v8;
	[tilespmem:s4+$0x10] =	vst v6;
	s4 =	smov.u32 s3  }
0x29e: {  	v21 =	vand.u32 $0x7F, v1;
	v13 =	vor.u32 v13, v18;
	v15 =	vor.u32 v3, v15;
	v6 =	vld [tilespmem:s18+$0xFFFFFFC0]  }
0x29f: {  	v3 =	vshll.u32 v8, $0x1;
	v4 =	vor.u32 v21, v4;
	[tilespmem:s3+$0xFFFFFF80] =	vst v14;
	v14 =	vand.u32 $0xFFFFFF00, v9;
	v8 =	vld.idx.msk [tilespmem:v12+s30+$0x0], $0xffff  }
0x2a0: {  	v3 =	vand.u32 $0xFFFFFF00, v3;
	v9 =	vld.idx.msk [tilespmem:v11+s30+$0x0], $0xffff;
	v11 =	vor.u32 v17, v14;
	[tilespmem:s3+$0xFFFFFFF0] =	vst v7;
	v1 =	vmov v10  }
0x2a1: {  	v10 =	vor.u32 v20, v3;
	v12 =	vld.idx.msk [tilespmem:v16+s30+$0x0], $0xffff  }
0x2a2: {  	v3 =	vld [tilespmem:s18+$0x10];
	v7 =	vand.u32 $0x7F, v5;
	v5 =	vshll.u32 v5, $0x1  }
0x2a3: {  	v14 =	vshll.u32 v6, $0x1;
	v5 =	vand.u32 $0xFFFFFF00, v5;
	v16 =	vld.idx.msk [tilespmem:v15+s30+$0x0], $0xffff  }
0x2a4: {  	v14 =	vand.u32 $0xFFFFFF00, v14;
	v7 =	vor.u32 v7, v5;
	v5 =	vld.idx.msk [tilespmem:v4+s30+$0x0], $0xffff  }
0x2a5: {  	v15 =	vor.u32 $0x80, v15;
	v17 =	vld.idx.msk [tilespmem:v13+s30+$0x0], $0xffff;
	[tilespmem:s3+$0xFFFFFFE0] =	vst v8  }
0x2a6: {  	v4 =	vor.u32 $0x80, v4;
	[tilespmem:s3+$0x0] =	vst v9;
	v8 =	vld.idx.msk [tilespmem:v11+s30+$0x0], $0xffff  }
0x2a7: {  	v9 =	vor.u32 $0x80, v13;
	v13 =	vld.idx.msk [tilespmem:v19+s30+$0x0], $0xffff;
	[tilespmem:s3+$0x70] =	vst v12  }
0x2a8: {  	v12 =	vld.idx.msk [tilespmem:v10+s30+$0x0], $0xffff  }
0x2a9: {  	v20 =	vor.u32 $0x80, v11;
	v19 =	vor.u32 $0x80, v10;
	v18 =	vld [tilespmem:s18+$0x20];
	[tilespmem:s3+$0xFFFFFFD0] =	vst v16  }
0x2aa: {  	[tilespmem:s3+$0xFFFFFFA0] =	vst v5;
	v15 =	vld.idx.msk [tilespmem:v15+s30+$0x0], $0xffff  }
0x2ab: {  	v5 =	vand.u32 $0x7F, v6;
	v4 =	vld.idx.msk [tilespmem:v4+s30+$0x0], $0xffff;
	[tilespmem:s3+$0xFFFFFFB0] =	vst v17  }
.Ltmp6:
0x2ac: {  	v11 =	vor.u32 v5, v14;
	v10 =	vld.idx.msk [tilespmem:v9+s30+$0x0], $0xffff;
	[tilespmem:s3+$0xFFFFFFC0] =	vst v8;
	(pc) =	sbr.rel @p0 .LBB2_15-.Ltmp6, $4  }
0x2ad: {  	v9 =	vld [tilespmem:s18+$0x0];
	[tilespmem:s3+$0x60] =	vst v13  }
0x2ae: {  	v6 =	vshll.u32 v18, $0x1;
	[tilespmem:s3+$0xFFFFFF90] =	vst v12;
	v5 =	vld.idx.msk [tilespmem:v20+s30+$0x0], $0xffff  }
0x2af: {  	v12 =	vand.u32 $0xFFFFFF00, v6;
	v6 =	vld.idx.msk [tilespmem:v19+s30+$0x0], $0xffff  }
0x2b0: {  	v13 =	vand.u32 $0x7F, v18;
	v8 =	vld [tilespmem:s18+$0xFFFFFFD0];
	[tilespmem:s3+$0x50] =	vst v15  }
0x2b1: {  	_ =	sdelay $0x2  }
0x2b2: {  	v14 =	vor.u32 $0x80, v11  }
0x2b3: {  	v11 =	vld.idx.msk [tilespmem:v11+s30+$0x0], $0xffff;
	v15 =	vshll.u32 v3, $0x1;
	v16 =	vor.u32 $0x80, v7;
	v12 =	vor.u32 v13, v12  }
0x2b4: {  	v3 =	vand.u32 $0x7F, v3;
	v7 =	vld.idx.msk [tilespmem:v7+s30+$0x0], $0xffff;
	v17 =	vand.u32 $0x7F, v2;
	v2 =	vshll.u32 v2, $0x1  }
0x2b5: {  	v18 =	vshll.u32 v1, $0x1;
	v1 =	vand.u32 $0x7F, v1;
	v15 =	vand.u32 $0xFFFFFF00, v15  }
0x2b6: {  	v13 =	vand.u32 $0x7F, v9;
	v2 =	vand.u32 $0xFFFFFF00, v2;
	v3 =	vor.u32 v3, v15  }
0x2b7: {  	s0 =	sadd.s32 $0x100, s3;
	[tilespmem:s4+$0x30] =	vst v10;
	v9 =	vshll.u32 v9, $0x1;
	v10 =	vand.u32 $0xFFFFFF00, v18;
	v2 =	vor.u32 v17, v2  }
0x2b8: {  	v1 =	vor.u32 v1, v10;
	v9 =	vand.u32 $0xFFFFFF00, v9;
	[tilespmem:s0+$0xFFFFFF80] =	vst v11;
	v11 =	vshll.u32 v8, $0x1;
	v10 =	vld.idx.msk [tilespmem:v12+s30+$0x0], $0xffff  }
0x2b9: {  	v9 =	vor.u32 v13, v9;
	v8 =	vand.u32 $0x7F, v8;
	[tilespmem:s0+$0xFFFFFFF0] =	vst v7;
	v14 =	vld.idx.msk [tilespmem:v14+s30+$0x0], $0xffff;
	v11 =	vand.u32 $0xFFFFFF00, v11  }
0x2ba: {  	[tilespmem:s4+$0x20] =	vst v4;
	v7 =	vld.idx.msk [tilespmem:v16+s30+$0x0], $0xffff;
	v4 =	vor.u32 v8, v11  }
0x2bb: {  	[tilespmem:s4+$0x40] =	vst v5;
	v8 =	vor.u32 $0x80, v12;
	v5 =	vld.idx.msk [tilespmem:v3+s30+$0x0], $0xffff  }
0x2bc: {  	[tilespmem:s4+$0x10] =	vst v6;
	v6 =	vld.idx.msk [tilespmem:v2+s30+$0x0], $0xffff;
	v3 =	vor.u32 $0x80, v3  }
0x2bd: {  	v11 =	vld.idx.msk [tilespmem:v1+s30+$0x0], $0xffff;
	v2 =	vor.u32 $0x80, v2;
	[tilespmem:s0+$0xFFFFFFE0] =	vst v10  }
0x2be: {  	v1 =	vor.u32 $0x80, v1;
	v10 =	vld.idx.msk [tilespmem:v9+s30+$0x0], $0xffff;
	[tilespmem:s0+$0x0] =	vst v14  }
0x2bf: {  	v9 =	vor.u32 $0x80, v9;
	[tilespmem:s0+$0x70] =	vst v7;
	v7 =	vld.idx.msk [tilespmem:v4+s30+$0x0], $0xffff  }
0x2c0: {  	v8 =	vld.idx.msk [tilespmem:v8+s30+$0x0], $0xffff;
	v4 =	vor.u32 $0x80, v4;
	[tilespmem:s0+$0xFFFFFFD0] =	vst v5  }
0x2c1: {  	[tilespmem:s0+$0xFFFFFFB0] =	vst v6;
	v3 =	vld.idx.msk [tilespmem:v3+s30+$0x0], $0xffff  }
0x2c2: {  	[tilespmem:s0+$0xFFFFFFA0] =	vst v11;
	v2 =	vld.idx.msk [tilespmem:v2+s30+$0x0], $0xffff  }
0x2c3: {  	v1 =	vld.idx.msk [tilespmem:v1+s30+$0x0], $0xffff;
	[tilespmem:s0+$0xFFFFFFC0] =	vst v10  }
0x2c4: {  	v5 =	vld.idx.msk [tilespmem:v9+s30+$0x0], $0xffff;
	[tilespmem:s0+$0xFFFFFF90] =	vst v7  }
0x2c5: {  	[tilespmem:s0+$0x60] =	vst v8;
	v4 =	vld.idx.msk [tilespmem:v4+s30+$0x0], $0xffff  }
0x2c6: {  	[tilespmem:s0+$0x50] =	vst v3  }
0x2c7: {  	[tilespmem:s0+$0x30] =	vst v2  }
0x2c8: {  	[tilespmem:s0+$0x20] =	vst v1  }
0x2c9: {  	s3 =	smin.u32 s24, $0xF9;
	[tilespmem:s0+$0x40] =	vst v5  }
0x2ca: {  	s18 =	sadd.s32 s7, s22;
	[tilespmem:s0+$0x10] =	vst v4;
	s0 =	sadd.s32 $0x6, s3  }
0x2cb: {  	[hbm4b:s18+s25] =	stream.strided.scatter [tilespmem:s11], [sflag:$0x7], $0x2000, s26, s25, $0x38;
	[tilespmem:$0x11200] =	vst v63  }
0x2cc: {  	s4 =	sshll.u32 s0, $0xA;
	s0 =	sshll.u32 s0, $0x5  }
0x2cd: {  	s3 =	sadd.s32 s6, s4;
	s0 =	sand.u32 $0x60, s0  }
0x2ce: {  	s3 =	sand.u32 $0xFFF000, s3;
	s0 =	sadd.s32 s1, s0  }
0x2cf: {  	s0 =	sadd.s32 s3, s0  }
0x2d0: {  	[tilespmem:s30], [sflag:$0x3] =	stream.strided.gather [hbm4b:s0+s25], $0x2000, s26, s25, $0x38;
	[tilespmem:$0x11200] =	vst v63  }
0x2d1: {  	_ =	swait.ge [sflag:s12], $0x2000  }
0x2d2: {  	[sflag:s12] =	ssyncset.done $0x0  }
0x2d3: {  	[sflag:s12] =	ssyncadd.s32 $0xFFFFE000  }
0x2d4: {  	_ =	swait.ge [sflag:s17], $0x2000  }
0x2d5: {  	[sflag:s17] =	ssyncset.done $0x0  }
0x2d6: {  	s18 =	simm.s32 $0x40;
	[sflag:s17] =	ssyncadd.s32 $0xFFFFE000  }
0x2d7: {  	v1 =	vld [tilespmem:s18+$0xFFFFFFC0]  }
0x2d8: {  	v2 =	vld [tilespmem:s18+$0x30];
	_ =	sdelay $0x3  }
0x2d9: {  	v5 =	vld [tilespmem:s18+$0x20];
	v3 =	vshll.u32 v1, $0x1  }
0x2da: {  	v6 =	vld [tilespmem:s18+$0xFFFFFFE0];
	v4 =	vshll.u32 v2, $0x1;
	v1 =	vand.u32 $0x7F, v1;
	v3 =	vand.u32 $0xFFFFFF00, v3  }
0x2db: {  	v2 =	vand.u32 $0x7F, v2;
	v4 =	vand.u32 $0xFFFFFF00, v4;
	v1 =	vor.u32 v1, v3  }
0x2dc: {  	v7 =	vld [tilespmem:s18+$0x0];
	v2 =	vor.u32 v2, v4  }
0x2dd: {  	v4 =	vld [tilespmem:s18+$0x10]  }
0x2de: {  	v8 =	vshll.u32 v5, $0x1;
	v3 =	vld [tilespmem:s18+$0xFFFFFFF0]  }
0x2df: {  	v9 =	vld [tilespmem:s18+$0xFFFFFFD0];
	v5 =	vand.u32 $0x7F, v5;
	v15 =	vshll.u32 v6, $0x1;
	v8 =	vand.u32 $0xFFFFFF00, v8  }
0x2e0: {  	v6 =	vand.u32 $0x7F, v6;
	v15 =	vand.u32 $0xFFFFFF00, v15;
	v5 =	vor.u32 v5, v8;
	v10 =	vld.idx.msk [tilespmem:v1+s31+$0x0], $0xffff  }
0x2e1: {  	s18 =	simm.s32 $0xC0;
	v6 =	vor.u32 v6, v15;
	v11 =	vor.u32 $0x80, v1;
	v8 =	vld.idx.msk [tilespmem:v2+s31+$0x0], $0xffff  }
0x2e2: {  	v13 =	vor.u32 $0x80, v2;
	v61 =	vld [tilespmem:s18+$0x30];
	v12 =	vshll.u32 v4, $0x1;
	v4 =	vand.u32 $0x7F, v4  }
0x2e3: {  	v62 =	vld [tilespmem:s18+$0xFFFFFFC0];
	v14 =	vand.u32 $0x7F, v3;
	v3 =	vshll.u32 v3, $0x1;
	v12 =	vand.u32 $0xFFFFFF00, v12  }
0x2e4: {  	s3 =	simm.s32 $0xF280;
	v19 =	vld [tilespmem:s18+$0x20];
	v3 =	vand.u32 $0xFFFFFF00, v3;
	v4 =	vor.u32 v4, v12;
	v12 =	vshll.u32 v7, $0x1  }
0x2e5: {  	v7 =	vand.u32 $0x7F, v7;
	v14 =	vor.u32 v14, v3;
	v3 =	vand.u32 $0xFFFFFF00, v12;
	[tilespmem:s3+$0xFFFFFF80] =	vst v10;
	v10 =	vld.idx.msk [tilespmem:v5+s31+$0x0], $0xffff  }
0x2e6: {  	v7 =	vor.u32 v7, v3;
	[tilespmem:s3+$0xFFFFFFF0] =	vst v8;
	v8 =	vshll.u32 v9, $0x1;
	v11 =	vld.idx.msk [tilespmem:v11+s31+$0x0], $0xffff  }
0x2e7: {  	v5 =	vor.u32 $0x80, v5;
	v9 =	vand.u32 $0x7F, v9;
	v12 =	vld.idx.msk [tilespmem:v13+s31+$0x0], $0xffff;
	v8 =	vand.u32 $0xFFFFFF00, v8  }
0x2e8: {  	v13 =	vld.idx.msk [tilespmem:v6+s31+$0x0], $0xffff;
	v8 =	vor.u32 v9, v8  }
0x2e9: {  	v9 =	vld.idx.msk [tilespmem:v4+s31+$0x0], $0xffff  }
0x2ea: {  	v15 =	vld.idx.msk [tilespmem:v14+s31+$0x0], $0xffff;
	v4 =	vor.u32 $0x80, v4  }
0x2eb: {  	v6 =	vor.u32 $0x80, v6;
	v63 =	vld.idx.msk [tilespmem:v7+s31+$0x0], $0xffff;
	[tilespmem:s3+$0xFFFFFFE0] =	vst v10  }
0x2ec: {  	v10 =	vor.u32 $0x80, v14;
	v14 =	vld.idx.msk [tilespmem:v5+s31+$0x0], $0xffff  }
0x2ed: {  	v7 =	vor.u32 $0x80, v7;
	[tilespmem:s3+$0x0] =	vst v11;
	v5 =	vld.idx.msk [tilespmem:v8+s31+$0x0], $0xffff  }
0x2ee: {  	v1 =	vld [tilespmem:s18+$0xFFFFFFE0];
	[tilespmem:s3+$0xFFFFFFD0] =	vst v9  }
0x2ef: {  	[tilespmem:s3+$0xFFFFFFA0] =	vst v13;
	v20 =	vld.idx.msk [tilespmem:v4+s31+$0x0], $0xffff  }
0x2f0: {  	[tilespmem:s3+$0x70] =	vst v12;
	v11 =	vshll.u32 v62, $0x1;
	v4 =	vld.idx.msk [tilespmem:v6+s31+$0x0], $0xffff;
	v6 =	vshll.u32 v61, $0x1  }
0x2f1: {  	v3 =	vld [tilespmem:s18+$0x10];
	v12 =	vand.u32 $0x7F, v61;
	v8 =	vor.u32 $0x80, v8;
	[tilespmem:s3+$0xFFFFFFC0] =	vst v63;
	v6 =	vand.u32 $0xFFFFFF00, v6  }
0x2f2: {  	v11 =	vand.u32 $0xFFFFFF00, v11;
	[tilespmem:s3+$0xFFFFFF90] =	vst v5;
	v5 =	vld.idx.msk [tilespmem:v7+s31+$0x0], $0xffff;
	v7 =	vor.u32 v12, v6;
	v12 =	vand.u32 $0x7F, v62  }
0x2f3: {  	[tilespmem:s3+$0xFFFFFFB0] =	vst v15;
	v9 =	vld [tilespmem:s18+$0x0];
	v11 =	vor.u32 v12, v11  }
0x2f4: {  	v10 =	vld.idx.msk [tilespmem:v10+s31+$0x0], $0xffff  }
0x2f5: {  	v2 =	vld [tilespmem:s18+$0xFFFFFFF0]  }
0x2f6: {  	v13 =	vshll.u32 v19, $0x1;
	[tilespmem:s3+$0x60] =	vst v14;
	v6 =	vld.idx.msk [tilespmem:v8+s31+$0x0], $0xffff  }
0x2f7: {  	s4 =	simm.s32 $0xF280;
	s0 =	simm.s32 $0x8;
	v12 =	vand.u32 $0xFFFFFF00, v13;
	v8 =	vld [tilespmem:s18+$0xFFFFFFD0];
	v13 =	vand.u32 $0x7F, v19;
	[tilespmem:s3+$0x50] =	vst v20  }
.LBB2_17:
0x2f8: {  	s0 =	sadd.s32 $0x8, s0;
	v14 =	vld.idx.msk [tilespmem:v11+s31+$0x0], $0xffff;
	v11 =	vor.u32 $0x80, v11;
	v15 =	vshll.u32 v3, $0x1;
	v16 =	vor.u32 $0x80, v7;
	s3 =	sadd.s32 $0x100, s3  }
0x2f9: {  	v3 =	vand.u32 $0x7F, v3;
	v12 =	vor.u32 v13, v12;
	s18 =	sadd.s32 $0x80, s18;
	p0 =	slt.u32 s0, $0xF8;
	v17 =	vand.u32 $0x7F, v9;
	v7 =	vld.idx.msk [tilespmem:v7+s31+$0x0], $0xffff;
	[tilespmem:s4+$0x30] =	vst v10  }
0x2fa: {  	v13 =	vand.u32 $0x7F, v2;
	v18 =	vshll.u32 v2, $0x1;
	v19 =	vor.u32 $0x80, v12;
	v10 =	vld [tilespmem:s18+$0xFFFFFFE0];
	[tilespmem:s4+$0x20] =	vst v4  }
0x2fb: {  	v18 =	vand.u32 $0xFFFFFF00, v18;
	v9 =	vshll.u32 v9, $0x1;
	v4 =	vshll.u32 v1, $0x1;
	v2 =	vld [tilespmem:s18+$0xFFFFFFF0];
	[tilespmem:s4+$0x40] =	vst v5  }
0x2fc: {  	v15 =	vand.u32 $0xFFFFFF00, v15;
	v4 =	vand.u32 $0xFFFFFF00, v4;
	v5 =	vld [tilespmem:s18+$0x30];
	v20 =	vand.u32 $0x7F, v8;
	[tilespmem:s4+$0x10] =	vst v6;
	s4 =	smov.u32 s3  }
0x2fd: {  	v21 =	vand.u32 $0x7F, v1;
	v13 =	vor.u32 v13, v18;
	v15 =	vor.u32 v3, v15;
	v6 =	vld [tilespmem:s18+$0xFFFFFFC0]  }
0x2fe: {  	v3 =	vshll.u32 v8, $0x1;
	v4 =	vor.u32 v21, v4;
	[tilespmem:s3+$0xFFFFFF80] =	vst v14;
	v14 =	vand.u32 $0xFFFFFF00, v9;
	v8 =	vld.idx.msk [tilespmem:v12+s31+$0x0], $0xffff  }
0x2ff: {  	v3 =	vand.u32 $0xFFFFFF00, v3;
	v9 =	vld.idx.msk [tilespmem:v11+s31+$0x0], $0xffff;
	v11 =	vor.u32 v17, v14;
	[tilespmem:s3+$0xFFFFFFF0] =	vst v7;
	v1 =	vmov v10  }
0x300: {  	v10 =	vor.u32 v20, v3;
	v12 =	vld.idx.msk [tilespmem:v16+s31+$0x0], $0xffff  }
0x301: {  	v3 =	vld [tilespmem:s18+$0x10];
	v7 =	vand.u32 $0x7F, v5;
	v5 =	vshll.u32 v5, $0x1  }
0x302: {  	v14 =	vshll.u32 v6, $0x1;
	v5 =	vand.u32 $0xFFFFFF00, v5;
	v16 =	vld.idx.msk [tilespmem:v15+s31+$0x0], $0xffff  }
0x303: {  	v14 =	vand.u32 $0xFFFFFF00, v14;
	v7 =	vor.u32 v7, v5;
	v5 =	vld.idx.msk [tilespmem:v4+s31+$0x0], $0xffff  }
0x304: {  	v15 =	vor.u32 $0x80, v15;
	v17 =	vld.idx.msk [tilespmem:v13+s31+$0x0], $0xffff;
	[tilespmem:s3+$0xFFFFFFE0] =	vst v8  }
0x305: {  	v4 =	vor.u32 $0x80, v4;
	[tilespmem:s3+$0x0] =	vst v9;
	v8 =	vld.idx.msk [tilespmem:v11+s31+$0x0], $0xffff  }
0x306: {  	v9 =	vor.u32 $0x80, v13;
	v13 =	vld.idx.msk [tilespmem:v19+s31+$0x0], $0xffff;
	[tilespmem:s3+$0x70] =	vst v12  }
0x307: {  	v12 =	vld.idx.msk [tilespmem:v10+s31+$0x0], $0xffff  }
0x308: {  	v20 =	vor.u32 $0x80, v11;
	v19 =	vor.u32 $0x80, v10;
	v18 =	vld [tilespmem:s18+$0x20];
	[tilespmem:s3+$0xFFFFFFD0] =	vst v16  }
0x309: {  	[tilespmem:s3+$0xFFFFFFA0] =	vst v5;
	v15 =	vld.idx.msk [tilespmem:v15+s31+$0x0], $0xffff  }
0x30a: {  	v5 =	vand.u32 $0x7F, v6;
	v4 =	vld.idx.msk [tilespmem:v4+s31+$0x0], $0xffff;
	[tilespmem:s3+$0xFFFFFFB0] =	vst v17  }
.Ltmp7:
0x30b: {  	v11 =	vor.u32 v5, v14;
	v10 =	vld.idx.msk [tilespmem:v9+s31+$0x0], $0xffff;
	[tilespmem:s3+$0xFFFFFFC0] =	vst v8;
	(pc) =	sbr.rel @p0 .LBB2_17-.Ltmp7, $4  }
0x30c: {  	v9 =	vld [tilespmem:s18+$0x0];
	[tilespmem:s3+$0x60] =	vst v13  }
0x30d: {  	v6 =	vshll.u32 v18, $0x1;
	[tilespmem:s3+$0xFFFFFF90] =	vst v12;
	v5 =	vld.idx.msk [tilespmem:v20+s31+$0x0], $0xffff  }
0x30e: {  	v12 =	vand.u32 $0xFFFFFF00, v6;
	v6 =	vld.idx.msk [tilespmem:v19+s31+$0x0], $0xffff  }
0x30f: {  	v13 =	vand.u32 $0x7F, v18;
	v8 =	vld [tilespmem:s18+$0xFFFFFFD0];
	[tilespmem:s3+$0x50] =	vst v15  }
0x310: {  	_ =	sdelay $0x2  }
0x311: {  	v14 =	vor.u32 $0x80, v11  }
0x312: {  	v47 =	vld.idx.msk [tilespmem:v11+s31+$0x0], $0xffff;
	v15 =	vshll.u32 v3, $0x1;
	v16 =	vor.u32 $0x80, v7;
	v12 =	vor.u32 v13, v12  }
0x313: {  	v3 =	vand.u32 $0x7F, v3;
	v49 =	vld.idx.msk [tilespmem:v7+s31+$0x0], $0xffff;
	v17 =	vand.u32 $0x7F, v2;
	v2 =	vshll.u32 v2, $0x1  }
0x314: {  	v50 =	vshll.u32 v1, $0x1;
	v1 =	vand.u32 $0x7F, v1;
	v15 =	vand.u32 $0xFFFFFF00, v15  }
0x315: {  	v48 =	vand.u32 $0x7F, v9;
	v2 =	vand.u32 $0xFFFFFF00, v2;
	v3 =	vor.u32 v3, v15  }
0x316: {  	s0 =	sadd.s32 $0x100, s3;
	[tilespmem:s4+$0x30] =	vst v10;
	v51 =	vshll.u32 v9, $0x1;
	v52 =	vand.u32 $0xFFFFFF00, v50;
	v2 =	vor.u32 v17, v2  }
0x317: {  	v1 =	vor.u32 v1, v52;
	v9 =	vand.u32 $0xFFFFFF00, v51;
	v53 =	vshll.u32 v8, $0x1;
	[tilespmem:s0+$0xFFFFFF80] =	vst v47;
	v54 =	vld.idx.msk [tilespmem:v12+s31+$0x0], $0xffff  }
0x318: {  	v9 =	vor.u32 v48, v9;
	v55 =	vand.u32 $0x7F, v8;
	v11 =	vand.u32 $0xFFFFFF00, v53;
	[tilespmem:s0+$0xFFFFFFF0] =	vst v49;
	v14 =	vld.idx.msk [tilespmem:v14+s31+$0x0], $0xffff  }
0x319: {  	[tilespmem:s4+$0x20] =	vst v4;
	v56 =	vor.u32 v55, v11;
	v7 =	vld.idx.msk [tilespmem:v16+s31+$0x0], $0xffff  }
0x31a: {  	v57 =	vor.u32 $0x80, v12;
	[tilespmem:s4+$0x40] =	vst v5;
	v58 =	vld.idx.msk [tilespmem:v3+s31+$0x0], $0xffff  }
0x31b: {  	[tilespmem:s4+$0x10] =	vst v6;
	v59 =	vld.idx.msk [tilespmem:v2+s31+$0x0], $0xffff;
	v3 =	vor.u32 $0x80, v3  }
0x31c: {  	v60 =	vld.idx.msk [tilespmem:v1+s31+$0x0], $0xffff;
	v2 =	vor.u32 $0x80, v2;
	[tilespmem:s0+$0xFFFFFFE0] =	vst v54  }
0x31d: {  	v1 =	vor.u32 $0x80, v1;
	v61 =	vld.idx.msk [tilespmem:v9+s31+$0x0], $0xffff;
	[tilespmem:s0+$0x0] =	vst v14  }
0x31e: {  	v9 =	vor.u32 $0x80, v9;
	[tilespmem:s0+$0x70] =	vst v7;
	v62 =	vld.idx.msk [tilespmem:v56+s31+$0x0], $0xffff  }
0x31f: {  	v4 =	vor.u32 $0x80, v56;
	v8 =	vld.idx.msk [tilespmem:v57+s31+$0x0], $0xffff;
	[tilespmem:s0+$0xFFFFFFD0] =	vst v58  }
0x320: {  	[tilespmem:s0+$0xFFFFFFB0] =	vst v59;
	v3 =	vld.idx.msk [tilespmem:v3+s31+$0x0], $0xffff  }
0x321: {  	[tilespmem:s0+$0xFFFFFFA0] =	vst v60;
	v2 =	vld.idx.msk [tilespmem:v2+s31+$0x0], $0xffff  }
0x322: {  	v1 =	vld.idx.msk [tilespmem:v1+s31+$0x0], $0xffff;
	[tilespmem:s0+$0xFFFFFFC0] =	vst v61  }
0x323: {  	v63 =	vld.idx.msk [tilespmem:v9+s31+$0x0], $0xffff;
	[tilespmem:s0+$0xFFFFFF90] =	vst v62  }
0x324: {  	[tilespmem:s0+$0x60] =	vst v8;
	v4 =	vld.idx.msk [tilespmem:v4+s31+$0x0], $0xffff  }
0x325: {  	[tilespmem:s0+$0x50] =	vst v3  }
0x326: {  	s19 =	sadd.s32 $0x1, s19;
	[tilespmem:s0+$0x30] =	vst v2  }
0x327: {  	p0 =	sne.s32 s19, $0x40;
	[tilespmem:s0+$0x20] =	vst v1  }
.Ltmp8:
0x328: {  	s24 =	smin.u32 s24, $0xF8;
	[tilespmem:s0+$0x40] =	vst v63;
	(pc) =	sbr.rel @p0 .LBB2_10-.Ltmp8, $4  }
0x329: {  	s18 =	sadd.s32 s7, s23;
	[tilespmem:s0+$0x10] =	vst v4;
	s0 =	sshll.u32 s24, $0xA  }
0x32a: {  	[hbm4b:s18+s25] =	stream.strided.scatter [tilespmem:s13], [sflag:$0x8], $0x2000, s26, s25, $0x38;
	[tilespmem:$0x11200] =	vst v63  }
0x32b: {  	s0 =	sadd.s32 s0, s20  }
0x32c: {  	[tilespmem:s31], [sflag:$0x4] =	stream.strided.gather [hbm4b:s0+s25], $0x2000, s26, s25, $0x38;
	[tilespmem:$0x11200] =	vst v63  }
0x32d: {  	_ =	swait.ge [sflag:s2], $0x2000  }
0x32e: {  	[sflag:s2] =	ssyncset.done $0x0  }
0x32f: {  	[sflag:s2] =	ssyncadd.s32 $0xFFFFE000  }
0x330: {  	_ =	swait.ge [sflag:s14], $0x2000  }
0x331: {  	[sflag:s14] =	ssyncset.done $0x0  }
0x332: {  	[sflag:s14] =	ssyncadd.s32 $0xFFFFE000  }
0x333: {  	_ =	swait.ge [sflag:s5], $0x2000  }
0x334: {  	[sflag:s5] =	ssyncset.done $0x0  }
0x335: {  	[sflag:s5] =	ssyncadd.s32 $0xFFFFE000  }
0x336: {  	_ =	swait.ge [sflag:s15], $0x2000  }
0x337: {  	[sflag:s15] =	ssyncset.done $0x0  }
0x338: {  	[sflag:s15] =	ssyncadd.s32 $0xFFFFE000  }
0x339: {  	_ =	swait.ge [sflag:s10], $0x2000  }
0x33a: {  	[sflag:s10] =	ssyncset.done $0x0  }
0x33b: {  	[sflag:s10] =	ssyncadd.s32 $0xFFFFE000  }
0x33c: {  	_ =	swait.ge [sflag:s16], $0x2000  }
0x33d: {  	[sflag:s16] =	ssyncset.done $0x0  }
0x33e: {  	[sflag:s16] =	ssyncadd.s32 $0xFFFFE000  }
0x33f: {  	_ =	swait.ge [sflag:s12], $0x2000  }
0x340: {  	[sflag:s12] =	ssyncset.done $0x0  }
0x341: {  	[sflag:s12] =	ssyncadd.s32 $0xFFFFE000  }
0x342: {  	_ =	swait.ge [sflag:s17], $0x2000  }
0x343: {  	s3 =	rddreg [dreg:$0x12]  }
0x344: {  	s0 =	rddreg [dreg:$0x11];
	s3 =	sadd.s32 $0x1, s3  }
0x345: {  	p0 =	sne.s32 s3, s0  }
.Ltmp9:
0x346: {  	_ = 	snop;
	(pc) =	sbr.rel @p0 .LBB2_1-.Ltmp9, $3  }
0x347: {  	_ =	sdelay $0x1  }
0x348: {  	[sflag:s17] =	ssyncset.done $0x0  }
0x349: {  	[sflag:s17] =	ssyncadd.s32 $0xFFFFE000  }
0x34a: {  	_ =	sfence.sel $0x180000  }
0x34b: {  	[bflag:$0x0] =	sbarrier.arrive $0xFFFF  }
0x34c: {  	_ =	strace $0x90000047  }
0x34d: {  	s0 =	stileid.u32;
	[bflag:$0x2] =	sbarrier.arrive $0xFFFF  }
0x34e: {  	p0 =	sne.s32 s0, $0x0;
	s0 =	rddreg [dreg:$0x4]  }
0x34f: {  	s0 =	sadd.s32 @!p0 $0x100000, s0  }
0x350: {  	[sflag:s0] =	ssyncadd.tile.s32 @!p0 $0x1;
	_ =	shalt  }
.Lfunc_end2:
_tile_overlayer_lowered:
.L_overlay_start_2:
0x351: {  	(tag) =	ssettag $0x2  }
0x352: {  	s0 =	rddreg [dreg:$0x0];
	s2 =	stileid.u32  }
0x353: {  	s1 =	rddreg [dreg:$0x1];
	p0 =	sne.s32 s2, $0x0  }
0x354: {  	s3 =	rddreg [dreg:$0x2];
	[bflag:$0x3] =	sbarrier.arrive $0xFFFF;
	s2 =	simm.s32 @!p0 $0x1C09  }
0x355: {  	[timem:s3], [sflag:s2] =	dma.local @!p0 [hbm:s0], s1  }
0x356: {  	s0 =	simm.s32 @!p0 $0x9  }
0x357: {  	_ =	swait.ge @!p0 [sflag:s0], s1  }
0x358: {  	s1 =	ssub.s32 @!p0 $0x0, s1;
	[sflag:s0] =	ssyncset.done @!p0 $0x0  }
0x359: {  	[sflag:s0] =	ssyncadd.s32 @!p0 s1  }
0x35a: {  	[bflag:$0x3] =	sbarrier.arrive $0xFFFF  }
0x35b: {  	_ =	shalt  }

</sc_bundles>
